<compile_context>
chip_gen: v7x
topology: tpu7x:2x2x1
jax: 0.10.2.dev20260603
libtpu: 0.0.44.dev20260713+nightly
codegen_flags: <defaults>
</compile_context>

<pallas_src>
import functools

import jax
import jax.numpy as jnp
from jax import lax
from jax.experimental import pallas as pl
from jax.experimental.pallas import tpu as pltpu
from jax.experimental.pallas import tpu_sc as plsc

_B, _S, _NC, _C = 8, 2048, 4096, 512
_D = 256
_SBLK = 512
_NCBLK = 1024
_NSTEP = _S // _SBLK

_NWORK = 32
_ROWS_PER_W = _B * _S // _NWORK
_CH = 128


def _stage1_body(q_ref, rt_ref, rf_ref, w1t_ref, fiota_ref, gt_ref, idx_ref):
    b = pl.program_id(0)
    q = q_ref[0]
    rt = rt_ref[0]
    q0, q1, q2 = q[:, 0:1], q[:, 1:2], q[:, 2:3]
    r0, r1, r2 = rt[0:1, :], rt[1:2, :], rt[2:3, :]
    qm2 = (-2.0 * q).astype(jnp.bfloat16)
    rb = rt.astype(jnp.bfloat16)
    acc = lax.dot_general(qm2, rb, (((1,), (0,)), ((), ())),
                          preferred_element_type=jnp.float32)
    qsq = q0 * q0 + q1 * q1 + q2 * q2
    rsq = r0 * r0 + r1 * r1 + r2 * r2
    val = jnp.maximum((qsq + acc[:, 0:128]) + rsq[:, 0:128], 0.0)
    ci = jnp.zeros(val.shape, jnp.float32)
    for c in range(1, _NC // 128):
        lo = c * 128
        dc = jnp.maximum((qsq + acc[:, lo:lo + 128]) + rsq[:, lo:lo + 128], 0.0)
        lt = dc < val
        val = jnp.minimum(val, dc)
        ci = jnp.where(lt, float(lo), ci)
    liota = fiota_ref[:, 0:128]
    idxf = ci + liota
    m = jnp.min(val, axis=1, keepdims=True)
    fidx = jnp.min(jnp.where(val <= m, idxf, float(_NC)), axis=1)
    idx_ref[0, 0, 0, :] = fidx.astype(jnp.int32) + b * _NC
    gt_ref[0] = lax.dot_general(
        rf_ref[0].astype(jnp.bfloat16), w1t_ref[...].astype(jnp.bfloat16),
        (((0,), (0,)), ((), ())),
        preferred_element_type=jnp.float32)


def _stage1(query_xyz, ref_xyz_t, ref_feat, w1t, fiota):
    return pl.pallas_call(
        _stage1_body,
        grid=(_B, _NSTEP),
        in_specs=[
            pl.BlockSpec((1, _SBLK, 3), lambda b, i: (b, i, 0)),
            pl.BlockSpec((1, 3, _NC), lambda b, i: (b, 0, 0)),
            pl.BlockSpec((1, _C, _NCBLK), lambda b, i: (b, 0, i)),
            pl.BlockSpec((_C, _D), lambda b, i: (0, 0)),
            pl.BlockSpec((1, _NC), lambda b, i: (0, 0)),
        ],
        out_specs=[
            pl.BlockSpec((1, _NCBLK, _D), lambda b, i: (b, i, 0)),
            pl.BlockSpec((1, 1, 1, _SBLK), lambda b, i: (b, i, 0, 0)),
        ],
        out_shape=[
            jax.ShapeDtypeStruct((_B, _NC, _D), jnp.float32),
            jax.ShapeDtypeStruct((_B, _NSTEP, 1, _SBLK), jnp.int32),
        ],
    )(query_xyz, ref_xyz_t, ref_feat, w1t, fiota)


def _sc_gather(table, idx_flat):
    mesh = plsc.VectorSubcoreMesh(core_axis_name="c", subcore_axis_name="s")

    @functools.partial(
        pl.kernel,
        mesh=mesh,
        out_type=jax.ShapeDtypeStruct((_B * _S, _D), jnp.float32),
        scratch_types=[
            pltpu.VMEM((_CH,), jnp.int32),
            pltpu.VMEM((_CH,), jnp.int32),
            pltpu.VMEM((_CH, _D), jnp.float32),
            pltpu.VMEM((_CH, _D), jnp.float32),
            pltpu.SemaphoreType.DMA,
            pltpu.SemaphoreType.DMA,
        ],
    )
    def gather_kernel(table_hbm, idx_hbm, out_hbm,
                      idx_v0, idx_v1, rows_v0, rows_v1, sem0, sem1):
        wid = lax.axis_index("s") * 2 + lax.axis_index("c")
        base = wid * _ROWS_PER_W
        bufs = ((idx_v0, rows_v0, sem0), (idx_v1, rows_v1, sem1))
        nch = _ROWS_PER_W // _CH
        copies = [None, None]
        for i in range(nch):
            iv, rv, sm = bufs[i % 2]
            pltpu.sync_copy(idx_hbm.at[pl.ds(base + i * _CH, _CH)], iv)
            copies[i % 2] = pltpu.async_copy(table_hbm.at[iv], rv, sm)
            if i >= 1:
                pv, prv, psm = bufs[(i - 1) % 2]
                copies[(i - 1) % 2].wait()
                pltpu.sync_copy(prv, out_hbm.at[pl.ds(base + (i - 1) * _CH, _CH)])
        copies[(nch - 1) % 2].wait()
        pltpu.sync_copy(bufs[(nch - 1) % 2][1],
                        out_hbm.at[pl.ds(base + (nch - 1) * _CH, _CH)])

    return gather_kernel(table, idx_flat)


def _stage3_body(w2a_ref, w2b_ref, seed_ref, g_ref, b1_ref, b2_ref, out_ref):
    bias = lax.dot_general(
        w2b_ref[...], b1_ref[...], (((1,), (0,)), ((), ())),
        preferred_element_type=jnp.float32) + b2_ref[...]
    a = lax.dot_general(
        w2a_ref[...], seed_ref[0], (((1,), (0,)), ((), ())),
        preferred_element_type=jnp.float32)
    gpart = lax.dot_general(
        w2b_ref[...], g_ref[0], (((1,), (1,)), ((), ())),
        preferred_element_type=jnp.float32)
    out_ref[0] = a + gpart + bias


def _stage3(w2a, w2b, seed_features, g, b1_2d, b2_2d):
    return pl.pallas_call(
        _stage3_body,
        grid=(_B,),
        in_specs=[
            pl.BlockSpec((_D, _D), lambda b: (0, 0)),
            pl.BlockSpec((_D, _D), lambda b: (0, 0)),
            pl.BlockSpec((1, _D, _S), lambda b: (b, 0, 0)),
            pl.BlockSpec((1, _S, _D), lambda b: (b, 0, 0)),
            pl.BlockSpec((_D, 1), lambda b: (0, 0)),
            pl.BlockSpec((_D, 1), lambda b: (0, 0)),
        ],
        out_specs=pl.BlockSpec((1, _D, _S), lambda b: (b, 0, 0)),
        out_shape=jax.ShapeDtypeStruct((_B, _D, _S), jnp.float32),
    )(w2a, w2b, seed_features, g, b1_2d, b2_2d)


def kernel(query_xyz, ref_xyz, ref_feat, seed_features, W1, b1, W2, b2):
    ref_xyz_t = jnp.transpose(ref_xyz, (0, 2, 1))
    w1t = W1.T
    w2a = W2[:, :_D]
    w2b = W2[:, _D:]

    fiota = jnp.arange(_NC, dtype=jnp.float32).reshape(1, _NC)
    gt, idx = _stage1(query_xyz, ref_xyz_t, ref_feat, w1t, fiota)
    g = _sc_gather(gt.reshape(_B * _NC, _D), idx.reshape(_B * _S))
    out = _stage3(w2a, w2b, seed_features, g.reshape(_B, _S, _D),
                  b1.reshape(_D, 1), b2.reshape(_D, 1))
    return out

# --- scband reference (transcript-rebuilt; emitter-appended) ---
"""Pipeline reference for scband-lift3-dlocal-fusion-grasp-net-16733192585552 (READ-ONLY COPY).

The authoritative reference and input builder live on the scoring server;
editing this copy changes nothing except your own understanding.
"""

import jax, jax.numpy as jnp
import numpy as np

B, S, NC, C = 8, 2048, 4096, 512
D_SEED = 256

def setup_inputs(seed: int = 0) -> dict:
    key = jax.random.key(seed)
    ks = jax.random.split(key, 8)
    query_xyz = jax.random.uniform(ks[0], (B, S, 3), dtype=jnp.float32)
    ref_xyz = jax.random.uniform(ks[1], (B, NC, 3), dtype=jnp.float32)
    ref_feat = jax.random.normal(ks[2], (B, C, NC), dtype=jnp.float32)
    seed_features = jax.random.normal(ks[3], (B, D_SEED, S), dtype=jnp.float32)
    W1 = jax.random.normal(ks[4], (D_SEED, C), dtype=jnp.float32) * (1.0 / np.sqrt(C))
    b1 = jnp.zeros((D_SEED,), dtype=jnp.float32)
    W2 = jax.random.normal(ks[5], (D_SEED, 2 * D_SEED), dtype=jnp.float32) * (1.0 / np.sqrt(2 * D_SEED))
    b2 = jnp.zeros((D_SEED,), dtype=jnp.float32)
    return {"query_xyz": query_xyz, "ref_xyz": ref_xyz, "ref_feat": ref_feat,
            "seed_features": seed_features, "W1": W1, "b1": b1, "W2": W2, "b2": b2}

def nearest_neighbor_gather_features(query_xyz, ref_xyz, ref_feat):
    # torch.cdist(query_xyz, ref_xyz, p=2) equivalent
    q2 = jnp.sum(query_xyz * query_xyz, axis=-1, keepdims=True)          # (B,S,1)
    r2 = jnp.sum(ref_xyz * ref_xyz, axis=-1)[:, None, :]                 # (B,1,Nc)
    cross = jnp.einsum('bsd,bnd->bsn', query_xyz, ref_xyz)               # (B,S,Nc)
    dist = jnp.sqrt(jnp.maximum(q2 - 2.0 * cross + r2, 0.0))
    idx = jnp.argmin(dist, axis=-1)                                      # (B,S) int
    idx = jnp.clip(idx, 0, ref_feat.shape[-1] - 1)
    idx_exp = jnp.broadcast_to(idx[:, None, :], (ref_feat.shape[0], ref_feat.shape[1], idx.shape[-1]))
    return jnp.take_along_axis(ref_feat, idx_exp, axis=2)                # (B,C,S)

def reference(query_xyz, ref_xyz, ref_feat, seed_features, W1, b1, W2, b2):
    # nearest-neighbor lift3d feature gather (core retrieval_knn op)
    lift3d_raw = nearest_neighbor_gather_features(query_xyz, ref_xyz, ref_feat).astype(jnp.float32)
    # lift3d_seed_proj: Conv1d(C -> 256, k=1)
    lift3d_seed = jnp.einsum('oc,bcs->bos', W1, lift3d_raw) + b1[None, :, None]
    # fusion_mode == 'concat_proj': Conv1d(512 -> 256, k=1) over concat
    fused = jnp.concatenate([seed_features, lift3d_seed], axis=1)        # (B,512,S)
    seed_out = jnp.einsum('oc,bcs->bos', W2, fused) + b2[None, :, None]  # (B,256,S)
    return seed_out

if __name__ == "__main__":
    import jax
    _d = setup_inputs()
    print(jax.jit(kernel)(*tuple(_d.values())))

</pallas_src>

<mosaic_0001>
#map = affine_map<(d0, d1) -> (0, 0)>
#map1 = affine_map<(d0, d1) -> (0)>
module attributes {stable_mosaic.version = 14 : i64} {
  func.func @gather_kernel(%arg0: i32, %arg1: i32, %arg2: memref<32768x256xf32, #tpu.memory_space<hbm>>, %arg3: memref<16384xi32, #tpu.memory_space<hbm>>, %arg4: memref<16384x256xf32, #tpu.memory_space<hbm>>, %arg5: memref<128xi32, #tpu.memory_space<vmem>>, %arg6: memref<128xi32, #tpu.memory_space<vmem>>, %arg7: memref<128x256xf32, #tpu.memory_space<vmem>>, %arg8: memref<128x256xf32, #tpu.memory_space<vmem>>, %arg9: memref<!tpu.dma_semaphore, #tpu.memory_space<semaphore_mem>>, %arg10: memref<!tpu.dma_semaphore, #tpu.memory_space<semaphore_mem>>) attributes {dimension_semantics = [#tpu.dimension_semantics<core_parallel>, #tpu.dimension_semantics<subcore_parallel>], iteration_bounds = array<i64: 2, 16>, scalar_prefetch = 0 : i64, scratch_operands = 6 : i64, tpu.core_type = #tpu.core_type<sc_vector_subcore>, window_params = [{transform_indices = #map}, {transform_indices = #map1}, {transform_indices = #map}]} {
    %mul3A = arith.constant 2 : i32
    %mul3A_0 = arith.muli %arg1, %mul3A : i32
    %add3A = arith.addi %mul3A_0, %arg0 : i32
    %mul3A_1 = arith.constant 512 : i32
    %mul3A_2 = arith.muli %add3A, %mul3A_1 : i32
    %add3A_3 = arith.constant 0 : i32
    %add3A_4 = arith.addi %mul3A_2, %add3A_3 : i32
    "tpu.region"() ({
      %run_scoped3A = tpu.sem_alloc : memref<!tpu.dma_semaphore, #tpu.memory_space<semaphore_mem>>
      %dma_start3A_41 = tpu.memref_slice %arg3[%add3A_4] : memref<16384xi32, #tpu.memory_space<hbm>> -> memref<128xi32, #tpu.memory_space<hbm>>
      %dma_start3A_42 = tpu.memref_slice %arg3[%add3A_4] : memref<16384xi32, #tpu.memory_space<hbm>> -> memref<128xi32, #tpu.memory_space<hbm>>
      tpu.enqueue_dma source(%dma_start3A_42 : memref<128xi32, #tpu.memory_space<hbm>>) target(%arg5 : memref<128xi32, #tpu.memory_space<vmem>>) target_semaphore(%run_scoped3A : memref<!tpu.dma_semaphore, #tpu.memory_space<semaphore_mem>>)
      %dma_wait3A_43 = tpu.memref_slice %arg3[%add3A_4] : memref<16384xi32, #tpu.memory_space<hbm>> -> memref<128xi32, #tpu.memory_space<hbm>>
      %dma_wait3A_44 = tpu.memref_slice %arg3[%add3A_4] : memref<16384xi32, #tpu.memory_space<hbm>> -> memref<128xi32, #tpu.memory_space<hbm>>
      tpu.wait_dma2 semaphore(%run_scoped3A : memref<!tpu.dma_semaphore, #tpu.memory_space<semaphore_mem>>) src(%dma_wait3A_44 : memref<128xi32, #tpu.memory_space<hbm>>) dst(%arg5 : memref<128xi32, #tpu.memory_space<vmem>>)
      tpu.yield
    }) : () -> ()
    %dma_start3A = arith.constant 0 : i32
    %dma_start3A_5 = arith.constant 0 : i32
    %dma_start3A_6 = tpu.memref_slice %arg2[%dma_start3A, %dma_start3A_5] : memref<32768x256xf32, #tpu.memory_space<hbm>> -> memref<32768x256xf32, #tpu.memory_space<hbm>>
    tpu.enqueue_indirect_dma source(%dma_start3A_6 : memref<32768x256xf32, #tpu.memory_space<hbm>>) target(%arg7 : memref<128x256xf32, #tpu.memory_space<vmem>>) offsets(%arg5 : memref<128xi32, #tpu.memory_space<vmem>>) semaphore(%arg9 : memref<!tpu.dma_semaphore, #tpu.memory_space<semaphore_mem>>)
    %add3A_7 = arith.constant 128 : i32
    %add3A_8 = arith.addi %mul3A_2, %add3A_7 : i32
    "tpu.region"() ({
      %run_scoped3A = tpu.sem_alloc : memref<!tpu.dma_semaphore, #tpu.memory_space<semaphore_mem>>
      %dma_start3A_41 = tpu.memref_slice %arg3[%add3A_8] : memref<16384xi32, #tpu.memory_space<hbm>> -> memref<128xi32, #tpu.memory_space<hbm>>
      %dma_start3A_42 = tpu.memref_slice %arg3[%add3A_8] : memref<16384xi32, #tpu.memory_space<hbm>> -> memref<128xi32, #tpu.memory_space<hbm>>
      tpu.enqueue_dma source(%dma_start3A_42 : memref<128xi32, #tpu.memory_space<hbm>>) target(%arg6 : memref<128xi32, #tpu.memory_space<vmem>>) target_semaphore(%run_scoped3A : memref<!tpu.dma_semaphore, #tpu.memory_space<semaphore_mem>>)
      %dma_wait3A_43 = tpu.memref_slice %arg3[%add3A_8] : memref<16384xi32, #tpu.memory_space<hbm>> -> memref<128xi32, #tpu.memory_space<hbm>>
      %dma_wait3A_44 = tpu.memref_slice %arg3[%add3A_8] : memref<16384xi32, #tpu.memory_space<hbm>> -> memref<128xi32, #tpu.memory_space<hbm>>
      tpu.wait_dma2 semaphore(%run_scoped3A : memref<!tpu.dma_semaphore, #tpu.memory_space<semaphore_mem>>) src(%dma_wait3A_44 : memref<128xi32, #tpu.memory_space<hbm>>) dst(%arg6 : memref<128xi32, #tpu.memory_space<vmem>>)
      tpu.yield
    }) : () -> ()
    %dma_start3A_9 = arith.constant 0 : i32
    %dma_start3A_10 = arith.constant 0 : i32
    %dma_start3A_11 = tpu.memref_slice %arg2[%dma_start3A_9, %dma_start3A_10] : memref<32768x256xf32, #tpu.memory_space<hbm>> -> memref<32768x256xf32, #tpu.memory_space<hbm>>
    tpu.enqueue_indirect_dma source(%dma_start3A_11 : memref<32768x256xf32, #tpu.memory_space<hbm>>) target(%arg8 : memref<128x256xf32, #tpu.memory_space<vmem>>) offsets(%arg6 : memref<128xi32, #tpu.memory_space<vmem>>) semaphore(%arg10 : memref<!tpu.dma_semaphore, #tpu.memory_space<semaphore_mem>>)
    %dma_wait3A = arith.constant 0 : i32
    %dma_wait3A_12 = arith.constant 0 : i32
    %dma_wait3A_13 = tpu.memref_slice %arg2[%dma_wait3A, %dma_wait3A_12] : memref<32768x256xf32, #tpu.memory_space<hbm>> -> memref<32768x256xf32, #tpu.memory_space<hbm>>
    tpu.wait_indirect_dma semaphore(%arg9 : memref<!tpu.dma_semaphore, #tpu.memory_space<semaphore_mem>>) src(%dma_wait3A_13 : memref<32768x256xf32, #tpu.memory_space<hbm>>) dst(%arg7 : memref<128x256xf32, #tpu.memory_space<vmem>>)
    %add3A_14 = arith.constant 0 : i32
    %add3A_15 = arith.addi %mul3A_2, %add3A_14 : i32
    "tpu.region"() ({
      %run_scoped3A = tpu.sem_alloc : memref<!tpu.dma_semaphore, #tpu.memory_space<semaphore_mem>>
      %dma_start3A_41 = arith.constant 0 : i32
      %dma_start3A_42 = tpu.memref_slice %arg4[%add3A_15, %dma_start3A_41] : memref<16384x256xf32, #tpu.memory_space<hbm>> -> memref<128x256xf32, #tpu.memory_space<hbm>>
      %dma_start3A_43 = arith.constant 0 : i32
      %dma_start3A_44 = tpu.memref_slice %arg4[%add3A_15, %dma_start3A_43] : memref<16384x256xf32, #tpu.memory_space<hbm>> -> memref<128x256xf32, #tpu.memory_space<hbm>>
      tpu.enqueue_dma source(%arg7 : memref<128x256xf32, #tpu.memory_space<vmem>>) target(%dma_start3A_44 : memref<128x256xf32, #tpu.memory_space<hbm>>) target_semaphore(%run_scoped3A : memref<!tpu.dma_semaphore, #tpu.memory_space<semaphore_mem>>)
      %dma_wait3A_45 = arith.constant 0 : i32
      %dma_wait3A_46 = tpu.memref_slice %arg4[%add3A_15, %dma_wait3A_45] : memref<16384x256xf32, #tpu.memory_space<hbm>> -> memref<128x256xf32, #tpu.memory_space<hbm>>
      %dma_wait3A_47 = arith.constant 0 : i32
      %dma_wait3A_48 = tpu.memref_slice %arg4[%add3A_15, %dma_wait3A_47] : memref<16384x256xf32, #tpu.memory_space<hbm>> -> memref<128x256xf32, #tpu.memory_space<hbm>>
      tpu.wait_dma2 semaphore(%run_scoped3A : memref<!tpu.dma_semaphore, #tpu.memory_space<semaphore_mem>>) src(%arg7 : memref<128x256xf32, #tpu.memory_space<vmem>>) dst(%dma_wait3A_48 : memref<128x256xf32, #tpu.memory_space<hbm>>)
      tpu.yield
    }) : () -> ()
    %add3A_16 = arith.constant 256 : i32
    %add3A_17 = arith.addi %mul3A_2, %add3A_16 : i32
    "tpu.region"() ({
      %run_scoped3A = tpu.sem_alloc : memref<!tpu.dma_semaphore, #tpu.memory_space<semaphore_mem>>
      %dma_start3A_41 = tpu.memref_slice %arg3[%add3A_17] : memref<16384xi32, #tpu.memory_space<hbm>> -> memref<128xi32, #tpu.memory_space<hbm>>
      %dma_start3A_42 = tpu.memref_slice %arg3[%add3A_17] : memref<16384xi32, #tpu.memory_space<hbm>> -> memref<128xi32, #tpu.memory_space<hbm>>
      tpu.enqueue_dma source(%dma_start3A_42 : memref<128xi32, #tpu.memory_space<hbm>>) target(%arg5 : memref<128xi32, #tpu.memory_space<vmem>>) target_semaphore(%run_scoped3A : memref<!tpu.dma_semaphore, #tpu.memory_space<semaphore_mem>>)
      %dma_wait3A_43 = tpu.memref_slice %arg3[%add3A_17] : memref<16384xi32, #tpu.memory_space<hbm>> -> memref<128xi32, #tpu.memory_space<hbm>>
      %dma_wait3A_44 = tpu.memref_slice %arg3[%add3A_17] : memref<16384xi32, #tpu.memory_space<hbm>> -> memref<128xi32, #tpu.memory_space<hbm>>
      tpu.wait_dma2 semaphore(%run_scoped3A : memref<!tpu.dma_semaphore, #tpu.memory_space<semaphore_mem>>) src(%dma_wait3A_44 : memref<128xi32, #tpu.memory_space<hbm>>) dst(%arg5 : memref<128xi32, #tpu.memory_space<vmem>>)
      tpu.yield
    }) : () -> ()
    %dma_start3A_18 = arith.constant 0 : i32
    %dma_start3A_19 = arith.constant 0 : i32
    %dma_start3A_20 = tpu.memref_slice %arg2[%dma_start3A_18, %dma_start3A_19] : memref<32768x256xf32, #tpu.memory_space<hbm>> -> memref<32768x256xf32, #tpu.memory_space<hbm>>
    tpu.enqueue_indirect_dma source(%dma_start3A_20 : memref<32768x256xf32, #tpu.memory_space<hbm>>) target(%arg7 : memref<128x256xf32, #tpu.memory_space<vmem>>) offsets(%arg5 : memref<128xi32, #tpu.memory_space<vmem>>) semaphore(%arg9 : memref<!tpu.dma_semaphore, #tpu.memory_space<semaphore_mem>>)
    %dma_wait3A_21 = arith.constant 0 : i32
    %dma_wait3A_22 = arith.constant 0 : i32
    %dma_wait3A_23 = tpu.memref_slice %arg2[%dma_wait3A_21, %dma_wait3A_22] : memref<32768x256xf32, #tpu.memory_space<hbm>> -> memref<32768x256xf32, #tpu.memory_space<hbm>>
    tpu.wait_indirect_dma semaphore(%arg10 : memref<!tpu.dma_semaphore, #tpu.memory_space<semaphore_mem>>) src(%dma_wait3A_23 : memref<32768x256xf32, #tpu.memory_space<hbm>>) dst(%arg8 : memref<128x256xf32, #tpu.memory_space<vmem>>)
    %add3A_24 = arith.constant 128 : i32
    %add3A_25 = arith.addi %mul3A_2, %add3A_24 : i32
    "tpu.region"() ({
      %run_scoped3A = tpu.sem_alloc : memref<!tpu.dma_semaphore, #tpu.memory_space<semaphore_mem>>
      %dma_start3A_41 = arith.constant 0 : i32
      %dma_start3A_42 = tpu.memref_slice %arg4[%add3A_25, %dma_start3A_41] : memref<16384x256xf32, #tpu.memory_space<hbm>> -> memref<128x256xf32, #tpu.memory_space<hbm>>
      %dma_start3A_43 = arith.constant 0 : i32
      %dma_start3A_44 = tpu.memref_slice %arg4[%add3A_25, %dma_start3A_43] : memref<16384x256xf32, #tpu.memory_space<hbm>> -> memref<128x256xf32, #tpu.memory_space<hbm>>
      tpu.enqueue_dma source(%arg8 : memref<128x256xf32, #tpu.memory_space<vmem>>) target(%dma_start3A_44 : memref<128x256xf32, #tpu.memory_space<hbm>>) target_semaphore(%run_scoped3A : memref<!tpu.dma_semaphore, #tpu.memory_space<semaphore_mem>>)
      %dma_wait3A_45 = arith.constant 0 : i32
      %dma_wait3A_46 = tpu.memref_slice %arg4[%add3A_25, %dma_wait3A_45] : memref<16384x256xf32, #tpu.memory_space<hbm>> -> memref<128x256xf32, #tpu.memory_space<hbm>>
      %dma_wait3A_47 = arith.constant 0 : i32
      %dma_wait3A_48 = tpu.memref_slice %arg4[%add3A_25, %dma_wait3A_47] : memref<16384x256xf32, #tpu.memory_space<hbm>> -> memref<128x256xf32, #tpu.memory_space<hbm>>
      tpu.wait_dma2 semaphore(%run_scoped3A : memref<!tpu.dma_semaphore, #tpu.memory_space<semaphore_mem>>) src(%arg8 : memref<128x256xf32, #tpu.memory_space<vmem>>) dst(%dma_wait3A_48 : memref<128x256xf32, #tpu.memory_space<hbm>>)
      tpu.yield
    }) : () -> ()
    %add3A_26 = arith.constant 384 : i32
    %add3A_27 = arith.addi %mul3A_2, %add3A_26 : i32
    "tpu.region"() ({
      %run_scoped3A = tpu.sem_alloc : memref<!tpu.dma_semaphore, #tpu.memory_space<semaphore_mem>>
      %dma_start3A_41 = tpu.memref_slice %arg3[%add3A_27] : memref<16384xi32, #tpu.memory_space<hbm>> -> memref<128xi32, #tpu.memory_space<hbm>>
      %dma_start3A_42 = tpu.memref_slice %arg3[%add3A_27] : memref<16384xi32, #tpu.memory_space<hbm>> -> memref<128xi32, #tpu.memory_space<hbm>>
      tpu.enqueue_dma source(%dma_start3A_42 : memref<128xi32, #tpu.memory_space<hbm>>) target(%arg6 : memref<128xi32, #tpu.memory_space<vmem>>) target_semaphore(%run_scoped3A : memref<!tpu.dma_semaphore, #tpu.memory_space<semaphore_mem>>)
      %dma_wait3A_43 = tpu.memref_slice %arg3[%add3A_27] : memref<16384xi32, #tpu.memory_space<hbm>> -> memref<128xi32, #tpu.memory_space<hbm>>
      %dma_wait3A_44 = tpu.memref_slice %arg3[%add3A_27] : memref<16384xi32, #tpu.memory_space<hbm>> -> memref<128xi32, #tpu.memory_space<hbm>>
      tpu.wait_dma2 semaphore(%run_scoped3A : memref<!tpu.dma_semaphore, #tpu.memory_space<semaphore_mem>>) src(%dma_wait3A_44 : memref<128xi32, #tpu.memory_space<hbm>>) dst(%arg6 : memref<128xi32, #tpu.memory_space<vmem>>)
      tpu.yield
    }) : () -> ()
    %dma_start3A_28 = arith.constant 0 : i32
    %dma_start3A_29 = arith.constant 0 : i32
    %dma_start3A_30 = tpu.memref_slice %arg2[%dma_start3A_28, %dma_start3A_29] : memref<32768x256xf32, #tpu.memory_space<hbm>> -> memref<32768x256xf32, #tpu.memory_space<hbm>>
    tpu.enqueue_indirect_dma source(%dma_start3A_30 : memref<32768x256xf32, #tpu.memory_space<hbm>>) target(%arg8 : memref<128x256xf32, #tpu.memory_space<vmem>>) offsets(%arg6 : memref<128xi32, #tpu.memory_space<vmem>>) semaphore(%arg10 : memref<!tpu.dma_semaphore, #tpu.memory_space<semaphore_mem>>)
    %dma_wait3A_31 = arith.constant 0 : i32
    %dma_wait3A_32 = arith.constant 0 : i32
    %dma_wait3A_33 = tpu.memref_slice %arg2[%dma_wait3A_31, %dma_wait3A_32] : memref<32768x256xf32, #tpu.memory_space<hbm>> -> memref<32768x256xf32, #tpu.memory_space<hbm>>
    tpu.wait_indirect_dma semaphore(%arg9 : memref<!tpu.dma_semaphore, #tpu.memory_space<semaphore_mem>>) src(%dma_wait3A_33 : memref<32768x256xf32, #tpu.memory_space<hbm>>) dst(%arg7 : memref<128x256xf32, #tpu.memory_space<vmem>>)
    %add3A_34 = arith.constant 256 : i32
    %add3A_35 = arith.addi %mul3A_2, %add3A_34 : i32
    "tpu.region"() ({
      %run_scoped3A = tpu.sem_alloc : memref<!tpu.dma_semaphore, #tpu.memory_space<semaphore_mem>>
      %dma_start3A_41 = arith.constant 0 : i32
      %dma_start3A_42 = tpu.memref_slice %arg4[%add3A_35, %dma_start3A_41] : memref<16384x256xf32, #tpu.memory_space<hbm>> -> memref<128x256xf32, #tpu.memory_space<hbm>>
      %dma_start3A_43 = arith.constant 0 : i32
      %dma_start3A_44 = tpu.memref_slice %arg4[%add3A_35, %dma_start3A_43] : memref<16384x256xf32, #tpu.memory_space<hbm>> -> memref<128x256xf32, #tpu.memory_space<hbm>>
      tpu.enqueue_dma source(%arg7 : memref<128x256xf32, #tpu.memory_space<vmem>>) target(%dma_start3A_44 : memref<128x256xf32, #tpu.memory_space<hbm>>) target_semaphore(%run_scoped3A : memref<!tpu.dma_semaphore, #tpu.memory_space<semaphore_mem>>)
      %dma_wait3A_45 = arith.constant 0 : i32
      %dma_wait3A_46 = tpu.memref_slice %arg4[%add3A_35, %dma_wait3A_45] : memref<16384x256xf32, #tpu.memory_space<hbm>> -> memref<128x256xf32, #tpu.memory_space<hbm>>
      %dma_wait3A_47 = arith.constant 0 : i32
      %dma_wait3A_48 = tpu.memref_slice %arg4[%add3A_35, %dma_wait3A_47] : memref<16384x256xf32, #tpu.memory_space<hbm>> -> memref<128x256xf32, #tpu.memory_space<hbm>>
      tpu.wait_dma2 semaphore(%run_scoped3A : memref<!tpu.dma_semaphore, #tpu.memory_space<semaphore_mem>>) src(%arg7 : memref<128x256xf32, #tpu.memory_space<vmem>>) dst(%dma_wait3A_48 : memref<128x256xf32, #tpu.memory_space<hbm>>)
      tpu.yield
    }) : () -> ()
    %dma_wait3A_36 = arith.constant 0 : i32
    %dma_wait3A_37 = arith.constant 0 : i32
    %dma_wait3A_38 = tpu.memref_slice %arg2[%dma_wait3A_36, %dma_wait3A_37] : memref<32768x256xf32, #tpu.memory_space<hbm>> -> memref<32768x256xf32, #tpu.memory_space<hbm>>
    tpu.wait_indirect_dma semaphore(%arg10 : memref<!tpu.dma_semaphore, #tpu.memory_space<semaphore_mem>>) src(%dma_wait3A_38 : memref<32768x256xf32, #tpu.memory_space<hbm>>) dst(%arg8 : memref<128x256xf32, #tpu.memory_space<vmem>>)
    %add3A_39 = arith.constant 384 : i32
    %add3A_40 = arith.addi %mul3A_2, %add3A_39 : i32
    "tpu.region"() ({
      %run_scoped3A = tpu.sem_alloc : memref<!tpu.dma_semaphore, #tpu.memory_space<semaphore_mem>>
      %dma_start3A_41 = arith.constant 0 : i32
      %dma_start3A_42 = tpu.memref_slice %arg4[%add3A_40, %dma_start3A_41] : memref<16384x256xf32, #tpu.memory_space<hbm>> -> memref<128x256xf32, #tpu.memory_space<hbm>>
      %dma_start3A_43 = arith.constant 0 : i32
      %dma_start3A_44 = tpu.memref_slice %arg4[%add3A_40, %dma_start3A_43] : memref<16384x256xf32, #tpu.memory_space<hbm>> -> memref<128x256xf32, #tpu.memory_space<hbm>>
      tpu.enqueue_dma source(%arg8 : memref<128x256xf32, #tpu.memory_space<vmem>>) target(%dma_start3A_44 : memref<128x256xf32, #tpu.memory_space<hbm>>) target_semaphore(%run_scoped3A : memref<!tpu.dma_semaphore, #tpu.memory_space<semaphore_mem>>)
      %dma_wait3A_45 = arith.constant 0 : i32
      %dma_wait3A_46 = tpu.memref_slice %arg4[%add3A_40, %dma_wait3A_45] : memref<16384x256xf32, #tpu.memory_space<hbm>> -> memref<128x256xf32, #tpu.memory_space<hbm>>
      %dma_wait3A_47 = arith.constant 0 : i32
      %dma_wait3A_48 = tpu.memref_slice %arg4[%add3A_40, %dma_wait3A_47] : memref<16384x256xf32, #tpu.memory_space<hbm>> -> memref<128x256xf32, #tpu.memory_space<hbm>>
      tpu.wait_dma2 semaphore(%run_scoped3A : memref<!tpu.dma_semaphore, #tpu.memory_space<semaphore_mem>>) src(%arg8 : memref<128x256xf32, #tpu.memory_space<vmem>>) dst(%dma_wait3A_48 : memref<128x256xf32, #tpu.memory_space<hbm>>)
      tpu.yield
    }) : () -> ()
    return
  }
}

module attributes {stable_mosaic.version = 14 : i64} {
  func.func @_stage1_body(%arg0: i32, %arg1: i32, %arg2: memref<1x512x3xf32, #tpu.memory_space<vmem>>, %arg3: memref<1x3x4096xf32, #tpu.memory_space<vmem>>, %arg4: memref<1x512x1024xf32, #tpu.memory_space<vmem>>, %arg5: memref<512x256xf32, #tpu.memory_space<vmem>>, %arg6: memref<1x4096xf32, #tpu.memory_space<vmem>>, %arg7: memref<1x1024x256xf32, #tpu.memory_space<vmem>>, %arg8: memref<1x1x1x512xi32, #tpu.memory_space<vmem>>) attributes {dimension_semantics = [#tpu.dimension_semantics<arbitrary>, #tpu.dimension_semantics<arbitrary>], iteration_bounds = array<i64: 8, 4>, scalar_prefetch = 0 : i64, scratch_operands = 0 : i64, tpu.core_type = #tpu.core_type<tc>, window_params = [{transform_indices = @transform_0, window_bounds = array<i64: 1, 512, 3>}, {transform_indices = @transform_1, window_bounds = array<i64: 1, 3, 4096>}, {transform_indices = @transform_2, window_bounds = array<i64: 1, 512, 1024>}, {pipeline_mode = #tpu.pipeline_mode<synchronous>, transform_indices = @transform_3, window_bounds = array<i64: 512, 256>}, {pipeline_mode = #tpu.pipeline_mode<synchronous>, transform_indices = @transform_4, window_bounds = array<i64: 1, 4096>}, {transform_indices = @transform_5, window_bounds = array<i64: 1, 1024, 256>}, {transform_indices = @transform_6, window_bounds = array<i64: 1, 1, 1, 512>}]} {
    %get3A = arith.constant 0 : index
    %get3A_0 = arith.constant 0 : index
    %get3A_1 = arith.constant 0 : index
    %get3A_2 = vector.load %arg2[%get3A, %get3A_0, %get3A_1] : memref<1x512x3xf32, #tpu.memory_space<vmem>>, vector<1x512x3xf32>
    %get3A_3 = vector.shape_cast %get3A_2 : vector<1x512x3xf32> to vector<512x3xf32>
    %get3A_4 = arith.constant 0 : index
    %get3A_5 = arith.constant 0 : index
    %get3A_6 = arith.constant 0 : index
    %get3A_7 = vector.load %arg3[%get3A_4, %get3A_5, %get3A_6] : memref<1x3x4096xf32, #tpu.memory_space<vmem>>, vector<1x3x4096xf32>
    %get3A_8 = vector.shape_cast %get3A_7 : vector<1x3x4096xf32> to vector<3x4096xf32>
    %slice3A = vector.extract_strided_slice %get3A_3 {offsets = [0, 0], sizes = [512, 1], strides = [1, 1]} : vector<512x3xf32> to vector<512x1xf32>
    %slice3A_9 = vector.extract_strided_slice %get3A_3 {offsets = [0, 1], sizes = [512, 1], strides = [1, 1]} : vector<512x3xf32> to vector<512x1xf32>
    %slice3A_10 = vector.extract_strided_slice %get3A_3 {offsets = [0, 2], sizes = [512, 1], strides = [1, 1]} : vector<512x3xf32> to vector<512x1xf32>
    %slice3A_11 = vector.extract_strided_slice %get3A_8 {offsets = [0, 0], sizes = [1, 4096], strides = [1, 1]} : vector<3x4096xf32> to vector<1x4096xf32>
    %slice3A_12 = vector.extract_strided_slice %get3A_8 {offsets = [1, 0], sizes = [1, 4096], strides = [1, 1]} : vector<3x4096xf32> to vector<1x4096xf32>
    %slice3A_13 = vector.extract_strided_slice %get3A_8 {offsets = [2, 0], sizes = [1, 4096], strides = [1, 1]} : vector<3x4096xf32> to vector<1x4096xf32>
    %mul3A = arith.constant -2.000000e+00 : f32
    %mul3A_14 = vector.broadcast %mul3A : f32 to vector<512x3xf32>
    %mul3A_15 = arith.mulf %mul3A_14, %get3A_3 : vector<512x3xf32>
    %convert_element_type3A = arith.truncf %mul3A_15 : vector<512x3xf32> to vector<512x3xbf16>
    %convert_element_type3A_16 = arith.truncf %get3A_8 : vector<3x4096xf32> to vector<3x4096xbf16>
    %dot_general3A = arith.constant dense<0.000000e+00> : vector<512x4096xf32>
    %dot_general3A_17 = tpu.matmul %convert_element_type3A, %convert_element_type3A_16, %dot_general3A {dimension_numbers = #tpu.dot_dimension_numbers<[1], [0], [0], [1], [0, 0, 1, 1], [], []>, transpose_lhs_hint = false} : vector<512x3xbf16>, vector<3x4096xbf16>, vector<512x4096xf32> -> vector<512x4096xf32>
    %mul3A_18 = arith.mulf %slice3A, %slice3A : vector<512x1xf32>
    %mul3A_19 = arith.mulf %slice3A_9, %slice3A_9 : vector<512x1xf32>
    %add3A = arith.addf %mul3A_18, %mul3A_19 : vector<512x1xf32>
    %mul3A_20 = arith.mulf %slice3A_10, %slice3A_10 : vector<512x1xf32>
    %add3A_21 = arith.addf %add3A, %mul3A_20 : vector<512x1xf32>
    %mul3A_22 = arith.mulf %slice3A_11, %slice3A_11 : vector<1x4096xf32>
    %mul3A_23 = arith.mulf %slice3A_12, %slice3A_12 : vector<1x4096xf32>
    %add3A_24 = arith.addf %mul3A_22, %mul3A_23 : vector<1x4096xf32>
    %mul3A_25 = arith.mulf %slice3A_13, %slice3A_13 : vector<1x4096xf32>
    %add3A_26 = arith.addf %add3A_24, %mul3A_25 : vector<1x4096xf32>
    %slice3A_27 = vector.extract_strided_slice %dot_general3A_17 {offsets = [0, 0], sizes = [512, 128], strides = [1, 1]} : vector<512x4096xf32> to vector<512x128xf32>
    %add3A_28 = vector.broadcast %add3A_21 : vector<512x1xf32> to vector<512x128xf32>
    %add3A_29 = arith.addf %add3A_28, %slice3A_27 : vector<512x128xf32>
    %slice3A_30 = vector.extract_strided_slice %add3A_26 {offsets = [0, 0], sizes = [1, 128], strides = [1, 1]} : vector<1x4096xf32> to vector<1x128xf32>
    %add3A_31 = vector.broadcast %slice3A_30 : vector<1x128xf32> to vector<512x128xf32>
    %add3A_32 = arith.addf %add3A_29, %add3A_31 : vector<512x128xf32>
    %max3A = arith.constant 0.000000e+00 : f32
    %max3A_33 = vector.broadcast %max3A : f32 to vector<512x128xf32>
    %max3A_34 = arith.maximumf %add3A_32, %max3A_33 : vector<512x128xf32>
    %broadcast_in_dim3A = arith.constant 0.000000e+00 : f32
    %broadcast_in_dim3A_35 = vector.broadcast %broadcast_in_dim3A : f32 to vector<512x128xf32>
    %slice3A_36 = vector.extract_strided_slice %dot_general3A_17 {offsets = [0, 128], sizes = [512, 128], strides = [1, 1]} : vector<512x4096xf32> to vector<512x128xf32>
    %add3A_37 = vector.broadcast %add3A_21 : vector<512x1xf32> to vector<512x128xf32>
    %add3A_38 = arith.addf %add3A_37, %slice3A_36 : vector<512x128xf32>
    %slice3A_39 = vector.extract_strided_slice %add3A_26 {offsets = [0, 128], sizes = [1, 128], strides = [1, 1]} : vector<1x4096xf32> to vector<1x128xf32>
    %add3A_40 = vector.broadcast %slice3A_39 : vector<1x128xf32> to vector<512x128xf32>
    %add3A_41 = arith.addf %add3A_38, %add3A_40 : vector<512x128xf32>
    %max3A_42 = arith.constant 0.000000e+00 : f32
    %max3A_43 = vector.broadcast %max3A_42 : f32 to vector<512x128xf32>
    %max3A_44 = arith.maximumf %add3A_41, %max3A_43 : vector<512x128xf32>
    %lt3A = arith.cmpf olt, %max3A_44, %max3A_34 : vector<512x128xf32>
    %min3A = arith.minimumf %max3A_34, %max3A_44 : vector<512x128xf32>
    %jit3A = arith.constant 1.280000e+02 : f32
    %broadcast_in_dim3A_45 = vector.broadcast %jit3A : f32 to vector<512x128xf32>
    %select_n3A = arith.select %lt3A, %broadcast_in_dim3A_45, %broadcast_in_dim3A_35 : vector<512x128xi1>, vector<512x128xf32>
    %slice3A_46 = vector.extract_strided_slice %dot_general3A_17 {offsets = [0, 256], sizes = [512, 128], strides = [1, 1]} : vector<512x4096xf32> to vector<512x128xf32>
    %add3A_47 = vector.broadcast %add3A_21 : vector<512x1xf32> to vector<512x128xf32>
    %add3A_48 = arith.addf %add3A_47, %slice3A_46 : vector<512x128xf32>
    %slice3A_49 = vector.extract_strided_slice %add3A_26 {offsets = [0, 256], sizes = [1, 128], strides = [1, 1]} : vector<1x4096xf32> to vector<1x128xf32>
    %add3A_50 = vector.broadcast %slice3A_49 : vector<1x128xf32> to vector<512x128xf32>
    %add3A_51 = arith.addf %add3A_48, %add3A_50 : vector<512x128xf32>
    %max3A_52 = arith.constant 0.000000e+00 : f32
    %max3A_53 = vector.broadcast %max3A_52 : f32 to vector<512x128xf32>
    %max3A_54 = arith.maximumf %add3A_51, %max3A_53 : vector<512x128xf32>
    %lt3A_55 = arith.cmpf olt, %max3A_54, %min3A : vector<512x128xf32>
    %min3A_56 = arith.minimumf %min3A, %max3A_54 : vector<512x128xf32>
    %jit3A_57 = arith.constant 2.560000e+02 : f32
    %broadcast_in_dim3A_58 = vector.broadcast %jit3A_57 : f32 to vector<512x128xf32>
    %select_n3A_59 = arith.select %lt3A_55, %broadcast_in_dim3A_58, %select_n3A : vector<512x128xi1>, vector<512x128xf32>
    %slice3A_60 = vector.extract_strided_slice %dot_general3A_17 {offsets = [0, 384], sizes = [512, 128], strides = [1, 1]} : vector<512x4096xf32> to vector<512x128xf32>
    %add3A_61 = vector.broadcast %add3A_21 : vector<512x1xf32> to vector<512x128xf32>
    %add3A_62 = arith.addf %add3A_61, %slice3A_60 : vector<512x128xf32>
    %slice3A_63 = vector.extract_strided_slice %add3A_26 {offsets = [0, 384], sizes = [1, 128], strides = [1, 1]} : vector<1x4096xf32> to vector<1x128xf32>
    %add3A_64 = vector.broadcast %slice3A_63 : vector<1x128xf32> to vector<512x128xf32>
    %add3A_65 = arith.addf %add3A_62, %add3A_64 : vector<512x128xf32>
    %max3A_66 = arith.constant 0.000000e+00 : f32
    %max3A_67 = vector.broadcast %max3A_66 : f32 to vector<512x128xf32>
    %max3A_68 = arith.maximumf %add3A_65, %max3A_67 : vector<512x128xf32>
    %lt3A_69 = arith.cmpf olt, %max3A_68, %min3A_56 : vector<512x128xf32>
    %min3A_70 = arith.minimumf %min3A_56, %max3A_68 : vector<512x128xf32>
    %jit3A_71 = arith.constant 3.840000e+02 : f32
    %broadcast_in_dim3A_72 = vector.broadcast %jit3A_71 : f32 to vector<512x128xf32>
    %select_n3A_73 = arith.select %lt3A_69, %broadcast_in_dim3A_72, %select_n3A_59 : vector<512x128xi1>, vector<512x128xf32>
    %slice3A_74 = vector.extract_strided_slice %dot_general3A_17 {offsets = [0, 512], sizes = [512, 128], strides = [1, 1]} : vector<512x4096xf32> to vector<512x128xf32>
    %add3A_75 = vector.broadcast %add3A_21 : vector<512x1xf32> to vector<512x128xf32>
    %add3A_76 = arith.addf %add3A_75, %slice3A_74 : vector<512x128xf32>
    %slice3A_77 = vector.extract_strided_slice %add3A_26 {offsets = [0, 512], sizes = [1, 128], strides = [1, 1]} : vector<1x4096xf32> to vector<1x128xf32>
    %add3A_78 = vector.broadcast %slice3A_77 : vector<1x128xf32> to vector<512x128xf32>
    %add3A_79 = arith.addf %add3A_76, %add3A_78 : vector<512x128xf32>
    %max3A_80 = arith.constant 0.000000e+00 : f32
    %max3A_81 = vector.broadcast %max3A_80 : f32 to vector<512x128xf32>
    %max3A_82 = arith.maximumf %add3A_79, %max3A_81 : vector<512x128xf32>
    %lt3A_83 = arith.cmpf olt, %max3A_82, %min3A_70 : vector<512x128xf32>
    %min3A_84 = arith.minimumf %min3A_70, %max3A_82 : vector<512x128xf32>
    %jit3A_85 = arith.constant 5.120000e+02 : f32
    %broadcast_in_dim3A_86 = vector.broadcast %jit3A_85 : f32 to vector<512x128xf32>
    %select_n3A_87 = arith.select %lt3A_83, %broadcast_in_dim3A_86, %select_n3A_73 : vector<512x128xi1>, vector<512x128xf32>
    %slice3A_88 = vector.extract_strided_slice %dot_general3A_17 {offsets = [0, 640], sizes = [512, 128], strides = [1, 1]} : vector<512x4096xf32> to vector<512x128xf32>
    %add3A_89 = vector.broadcast %add3A_21 : vector<512x1xf32> to vector<512x128xf32>
    %add3A_90 = arith.addf %add3A_89, %slice3A_88 : vector<512x128xf32>
    %slice3A_91 = vector.extract_strided_slice %add3A_26 {offsets = [0, 640], sizes = [1, 128], strides = [1, 1]} : vector<1x4096xf32> to vector<1x128xf32>
    %add3A_92 = vector.broadcast %slice3A_91 : vector<1x128xf32> to vector<512x128xf32>
    %add3A_93 = arith.addf %add3A_90, %add3A_92 : vector<512x128xf32>
    %max3A_94 = arith.constant 0.000000e+00 : f32
    %max3A_95 = vector.broadcast %max3A_94 : f32 to vector<512x128xf32>
    %max3A_96 = arith.maximumf %add3A_93, %max3A_95 : vector<512x128xf32>
    %lt3A_97 = arith.cmpf olt, %max3A_96, %min3A_84 : vector<512x128xf32>
    %min3A_98 = arith.minimumf %min3A_84, %max3A_96 : vector<512x128xf32>
    %jit3A_99 = arith.constant 6.400000e+02 : f32
    %broadcast_in_dim3A_100 = vector.broadcast %jit3A_99 : f32 to vector<512x128xf32>
    %select_n3A_101 = arith.select %lt3A_97, %broadcast_in_dim3A_100, %select_n3A_87 : vector<512x128xi1>, vector<512x128xf32>
    %slice3A_102 = vector.extract_strided_slice %dot_general3A_17 {offsets = [0, 768], sizes = [512, 128], strides = [1, 1]} : vector<512x4096xf32> to vector<512x128xf32>
    %add3A_103 = vector.broadcast %add3A_21 : vector<512x1xf32> to vector<512x128xf32>
    %add3A_104 = arith.addf %add3A_103, %slice3A_102 : vector<512x128xf32>
    %slice3A_105 = vector.extract_strided_slice %add3A_26 {offsets = [0, 768], sizes = [1, 128], strides = [1, 1]} : vector<1x4096xf32> to vector<1x128xf32>
    %add3A_106 = vector.broadcast %slice3A_105 : vector<1x128xf32> to vector<512x128xf32>
    %add3A_107 = arith.addf %add3A_104, %add3A_106 : vector<512x128xf32>
    %max3A_108 = arith.constant 0.000000e+00 : f32
    %max3A_109 = vector.broadcast %max3A_108 : f32 to vector<512x128xf32>
    %max3A_110 = arith.maximumf %add3A_107, %max3A_109 : vector<512x128xf32>
    %lt3A_111 = arith.cmpf olt, %max3A_110, %min3A_98 : vector<512x128xf32>
    %min3A_112 = arith.minimumf %min3A_98, %max3A_110 : vector<512x128xf32>
    %jit3A_113 = arith.constant 7.680000e+02 : f32
    %broadcast_in_dim3A_114 = vector.broadcast %jit3A_113 : f32 to vector<512x128xf32>
    %select_n3A_115 = arith.select %lt3A_111, %broadcast_in_dim3A_114, %select_n3A_101 : vector<512x128xi1>, vector<512x128xf32>
    %slice3A_116 = vector.extract_strided_slice %dot_general3A_17 {offsets = [0, 896], sizes = [512, 128], strides = [1, 1]} : vector<512x4096xf32> to vector<512x128xf32>
    %add3A_117 = vector.broadcast %add3A_21 : vector<512x1xf32> to vector<512x128xf32>
    %add3A_118 = arith.addf %add3A_117, %slice3A_116 : vector<512x128xf32>
    %slice3A_119 = vector.extract_strided_slice %add3A_26 {offsets = [0, 896], sizes = [1, 128], strides = [1, 1]} : vector<1x4096xf32> to vector<1x128xf32>
    %add3A_120 = vector.broadcast %slice3A_119 : vector<1x128xf32> to vector<512x128xf32>
    %add3A_121 = arith.addf %add3A_118, %add3A_120 : vector<512x128xf32>
    %max3A_122 = arith.constant 0.000000e+00 : f32
    %max3A_123 = vector.broadcast %max3A_122 : f32 to vector<512x128xf32>
    %max3A_124 = arith.maximumf %add3A_121, %max3A_123 : vector<512x128xf32>
    %lt3A_125 = arith.cmpf olt, %max3A_124, %min3A_112 : vector<512x128xf32>
    %min3A_126 = arith.minimumf %min3A_112, %max3A_124 : vector<512x128xf32>
    %jit3A_127 = arith.constant 8.960000e+02 : f32
    %broadcast_in_dim3A_128 = vector.broadcast %jit3A_127 : f32 to vector<512x128xf32>
    %select_n3A_129 = arith.select %lt3A_125, %broadcast_in_dim3A_128, %select_n3A_115 : vector<512x128xi1>, vector<512x128xf32>
    %slice3A_130 = vector.extract_strided_slice %dot_general3A_17 {offsets = [0, 1024], sizes = [512, 128], strides = [1, 1]} : vector<512x4096xf32> to vector<512x128xf32>
    %add3A_131 = vector.broadcast %add3A_21 : vector<512x1xf32> to vector<512x128xf32>
    %add3A_132 = arith.addf %add3A_131, %slice3A_130 : vector<512x128xf32>
    %slice3A_133 = vector.extract_strided_slice %add3A_26 {offsets = [0, 1024], sizes = [1, 128], strides = [1, 1]} : vector<1x4096xf32> to vector<1x128xf32>
    %add3A_134 = vector.broadcast %slice3A_133 : vector<1x128xf32> to vector<512x128xf32>
    %add3A_135 = arith.addf %add3A_132, %add3A_134 : vector<512x128xf32>
    %max3A_136 = arith.constant 0.000000e+00 : f32
    %max3A_137 = vector.broadcast %max3A_136 : f32 to vector<512x128xf32>
    %max3A_138 = arith.maximumf %add3A_135, %max3A_137 : vector<512x128xf32>
    %lt3A_139 = arith.cmpf olt, %max3A_138, %min3A_126 : vector<512x128xf32>
    %min3A_140 = arith.minimumf %min3A_126, %max3A_138 : vector<512x128xf32>
    %jit3A_141 = arith.constant 1.024000e+03 : f32
    %broadcast_in_dim3A_142 = vector.broadcast %jit3A_141 : f32 to vector<512x128xf32>
    %select_n3A_143 = arith.select %lt3A_139, %broadcast_in_dim3A_142, %select_n3A_129 : vector<512x128xi1>, vector<512x128xf32>
    %slice3A_144 = vector.extract_strided_slice %dot_general3A_17 {offsets = [0, 1152], sizes = [512, 128], strides = [1, 1]} : vector<512x4096xf32> to vector<512x128xf32>
    %add3A_145 = vector.broadcast %add3A_21 : vector<512x1xf32> to vector<512x128xf32>
    %add3A_146 = arith.addf %add3A_145, %slice3A_144 : vector<512x128xf32>
    %slice3A_147 = vector.extract_strided_slice %add3A_26 {offsets = [0, 1152], sizes = [1, 128], strides = [1, 1]} : vector<1x4096xf32> to vector<1x128xf32>
    %add3A_148 = vector.broadcast %slice3A_147 : vector<1x128xf32> to vector<512x128xf32>
    %add3A_149 = arith.addf %add3A_146, %add3A_148 : vector<512x128xf32>
    %max3A_150 = arith.constant 0.000000e+00 : f32
    %max3A_151 = vector.broadcast %max3A_150 : f32 to vector<512x128xf32>
    %max3A_152 = arith.maximumf %add3A_149, %max3A_151 : vector<512x128xf32>
    %lt3A_153 = arith.cmpf olt, %max3A_152, %min3A_140 : vector<512x128xf32>
    %min3A_154 = arith.minimumf %min3A_140, %max3A_152 : vector<512x128xf32>
    %jit3A_155 = arith.constant 1.152000e+03 : f32
    %broadcast_in_dim3A_156 = vector.broadcast %jit3A_155 : f32 to vector<512x128xf32>
    %select_n3A_157 = arith.select %lt3A_153, %broadcast_in_dim3A_156, %select_n3A_143 : vector<512x128xi1>, vector<512x128xf32>
    %slice3A_158 = vector.extract_strided_slice %dot_general3A_17 {offsets = [0, 1280], sizes = [512, 128], strides = [1, 1]} : vector<512x4096xf32> to vector<512x128xf32>
    %add3A_159 = vector.broadcast %add3A_21 : vector<512x1xf32> to vector<512x128xf32>
    %add3A_160 = arith.addf %add3A_159, %slice3A_158 : vector<512x128xf32>
    %slice3A_161 = vector.extract_strided_slice %add3A_26 {offsets = [0, 1280], sizes = [1, 128], strides = [1, 1]} : vector<1x4096xf32> to vector<1x128xf32>
    %add3A_162 = vector.broadcast %slice3A_161 : vector<1x128xf32> to vector<512x128xf32>
    %add3A_163 = arith.addf %add3A_160, %add3A_162 : vector<512x128xf32>
    %max3A_164 = arith.constant 0.000000e+00 : f32
    %max3A_165 = vector.broadcast %max3A_164 : f32 to vector<512x128xf32>
    %max3A_166 = arith.maximumf %add3A_163, %max3A_165 : vector<512x128xf32>
    %lt3A_167 = arith.cmpf olt, %max3A_166, %min3A_154 : vector<512x128xf32>
    %min3A_168 = arith.minimumf %min3A_154, %max3A_166 : vector<512x128xf32>
    %jit3A_169 = arith.constant 1.280000e+03 : f32
    %broadcast_in_dim3A_170 = vector.broadcast %jit3A_169 : f32 to vector<512x128xf32>
    %select_n3A_171 = arith.select %lt3A_167, %broadcast_in_dim3A_170, %select_n3A_157 : vector<512x128xi1>, vector<512x128xf32>
    %slice3A_172 = vector.extract_strided_slice %dot_general3A_17 {offsets = [0, 1408], sizes = [512, 128], strides = [1, 1]} : vector<512x4096xf32> to vector<512x128xf32>
    %add3A_173 = vector.broadcast %add3A_21 : vector<512x1xf32> to vector<512x128xf32>
    %add3A_174 = arith.addf %add3A_173, %slice3A_172 : vector<512x128xf32>
    %slice3A_175 = vector.extract_strided_slice %add3A_26 {offsets = [0, 1408], sizes = [1, 128], strides = [1, 1]} : vector<1x4096xf32> to vector<1x128xf32>
    %add3A_176 = vector.broadcast %slice3A_175 : vector<1x128xf32> to vector<512x128xf32>
    %add3A_177 = arith.addf %add3A_174, %add3A_176 : vector<512x128xf32>
    %max3A_178 = arith.constant 0.000000e+00 : f32
    %max3A_179 = vector.broadcast %max3A_178 : f32 to vector<512x128xf32>
    %max3A_180 = arith.maximumf %add3A_177, %max3A_179 : vector<512x128xf32>
    %lt3A_181 = arith.cmpf olt, %max3A_180, %min3A_168 : vector<512x128xf32>
    %min3A_182 = arith.minimumf %min3A_168, %max3A_180 : vector<512x128xf32>
    %jit3A_183 = arith.constant 1.408000e+03 : f32
    %broadcast_in_dim3A_184 = vector.broadcast %jit3A_183 : f32 to vector<512x128xf32>
    %select_n3A_185 = arith.select %lt3A_181, %broadcast_in_dim3A_184, %select_n3A_171 : vector<512x128xi1>, vector<512x128xf32>
    %slice3A_186 = vector.extract_strided_slice %dot_general3A_17 {offsets = [0, 1536], sizes = [512, 128], strides = [1, 1]} : vector<512x4096xf32> to vector<512x128xf32>
    %add3A_187 = vector.broadcast %add3A_21 : vector<512x1xf32> to vector<512x128xf32>
    %add3A_188 = arith.addf %add3A_187, %slice3A_186 : vector<512x128xf32>
    %slice3A_189 = vector.extract_strided_slice %add3A_26 {offsets = [0, 1536], sizes = [1, 128], strides = [1, 1]} : vector<1x4096xf32> to vector<1x128xf32>
    %add3A_190 = vector.broadcast %slice3A_189 : vector<1x128xf32> to vector<512x128xf32>
    %add3A_191 = arith.addf %add3A_188, %add3A_190 : vector<512x128xf32>
    %max3A_192 = arith.constant 0.000000e+00 : f32
    %max3A_193 = vector.broadcast %max3A_192 : f32 to vector<512x128xf32>
    %max3A_194 = arith.maximumf %add3A_191, %max3A_193 : vector<512x128xf32>
    %lt3A_195 = arith.cmpf olt, %max3A_194, %min3A_182 : vector<512x128xf32>
    %min3A_196 = arith.minimumf %min3A_182, %max3A_194 : vector<512x128xf32>
    %jit3A_197 = arith.constant 1.536000e+03 : f32
    %broadcast_in_dim3A_198 = vector.broadcast %jit3A_197 : f32 to vector<512x128xf32>
    %select_n3A_199 = arith.select %lt3A_195, %broadcast_in_dim3A_198, %select_n3A_185 : vector<512x128xi1>, vector<512x128xf32>
    %slice3A_200 = vector.extract_strided_slice %dot_general3A_17 {offsets = [0, 1664], sizes = [512, 128], strides = [1, 1]} : vector<512x4096xf32> to vector<512x128xf32>
    %add3A_201 = vector.broadcast %add3A_21 : vector<512x1xf32> to vector<512x128xf32>
    %add3A_202 = arith.addf %add3A_201, %slice3A_200 : vector<512x128xf32>
    %slice3A_203 = vector.extract_strided_slice %add3A_26 {offsets = [0, 1664], sizes = [1, 128], strides = [1, 1]} : vector<1x4096xf32> to vector<1x128xf32>
    %add3A_204 = vector.broadcast %slice3A_203 : vector<1x128xf32> to vector<512x128xf32>
    %add3A_205 = arith.addf %add3A_202, %add3A_204 : vector<512x128xf32>
    %max3A_206 = arith.constant 0.000000e+00 : f32
    %max3A_207 = vector.broadcast %max3A_206 : f32 to vector<512x128xf32>
    %max3A_208 = arith.maximumf %add3A_205, %max3A_207 : vector<512x128xf32>
    %lt3A_209 = arith.cmpf olt, %max3A_208, %min3A_196 : vector<512x128xf32>
    %min3A_210 = arith.minimumf %min3A_196, %max3A_208 : vector<512x128xf32>
    %jit3A_211 = arith.constant 1.664000e+03 : f32
    %broadcast_in_dim3A_212 = vector.broadcast %jit3A_211 : f32 to vector<512x128xf32>
    %select_n3A_213 = arith.select %lt3A_209, %broadcast_in_dim3A_212, %select_n3A_199 : vector<512x128xi1>, vector<512x128xf32>
    %slice3A_214 = vector.extract_strided_slice %dot_general3A_17 {offsets = [0, 1792], sizes = [512, 128], strides = [1, 1]} : vector<512x4096xf32> to vector<512x128xf32>
    %add3A_215 = vector.broadcast %add3A_21 : vector<512x1xf32> to vector<512x128xf32>
    %add3A_216 = arith.addf %add3A_215, %slice3A_214 : vector<512x128xf32>
    %slice3A_217 = vector.extract_strided_slice %add3A_26 {offsets = [0, 1792], sizes = [1, 128], strides = [1, 1]} : vector<1x4096xf32> to vector<1x128xf32>
    %add3A_218 = vector.broadcast %slice3A_217 : vector<1x128xf32> to vector<512x128xf32>
    %add3A_219 = arith.addf %add3A_216, %add3A_218 : vector<512x128xf32>
    %max3A_220 = arith.constant 0.000000e+00 : f32
    %max3A_221 = vector.broadcast %max3A_220 : f32 to vector<512x128xf32>
    %max3A_222 = arith.maximumf %add3A_219, %max3A_221 : vector<512x128xf32>
    %lt3A_223 = arith.cmpf olt, %max3A_222, %min3A_210 : vector<512x128xf32>
    %min3A_224 = arith.minimumf %min3A_210, %max3A_222 : vector<512x128xf32>
    %jit3A_225 = arith.constant 1.792000e+03 : f32
    %broadcast_in_dim3A_226 = vector.broadcast %jit3A_225 : f32 to vector<512x128xf32>
    %select_n3A_227 = arith.select %lt3A_223, %broadcast_in_dim3A_226, %select_n3A_213 : vector<512x128xi1>, vector<512x128xf32>
    %slice3A_228 = vector.extract_strided_slice %dot_general3A_17 {offsets = [0, 1920], sizes = [512, 128], strides = [1, 1]} : vector<512x4096xf32> to vector<512x128xf32>
    %add3A_229 = vector.broadcast %add3A_21 : vector<512x1xf32> to vector<512x128xf32>
    %add3A_230 = arith.addf %add3A_229, %slice3A_228 : vector<512x128xf32>
    %slice3A_231 = vector.extract_strided_slice %add3A_26 {offsets = [0, 1920], sizes = [1, 128], strides = [1, 1]} : vector<1x4096xf32> to vector<1x128xf32>
    %add3A_232 = vector.broadcast %slice3A_231 : vector<1x128xf32> to vector<512x128xf32>
    %add3A_233 = arith.addf %add3A_230, %add3A_232 : vector<512x128xf32>
    %max3A_234 = arith.constant 0.000000e+00 : f32
    %max3A_235 = vector.broadcast %max3A_234 : f32 to vector<512x128xf32>
    %max3A_236 = arith.maximumf %add3A_233, %max3A_235 : vector<512x128xf32>
    %lt3A_237 = arith.cmpf olt, %max3A_236, %min3A_224 : vector<512x128xf32>
    %min3A_238 = arith.minimumf %min3A_224, %max3A_236 : vector<512x128xf32>
    %jit3A_239 = arith.constant 1.920000e+03 : f32
    %broadcast_in_dim3A_240 = vector.broadcast %jit3A_239 : f32 to vector<512x128xf32>
    %select_n3A_241 = arith.select %lt3A_237, %broadcast_in_dim3A_240, %select_n3A_227 : vector<512x128xi1>, vector<512x128xf32>
    %slice3A_242 = vector.extract_strided_slice %dot_general3A_17 {offsets = [0, 2048], sizes = [512, 128], strides = [1, 1]} : vector<512x4096xf32> to vector<512x128xf32>
    %add3A_243 = vector.broadcast %add3A_21 : vector<512x1xf32> to vector<512x128xf32>
    %add3A_244 = arith.addf %add3A_243, %slice3A_242 : vector<512x128xf32>
    %slice3A_245 = vector.extract_strided_slice %add3A_26 {offsets = [0, 2048], sizes = [1, 128], strides = [1, 1]} : vector<1x4096xf32> to vector<1x128xf32>
    %add3A_246 = vector.broadcast %slice3A_245 : vector<1x128xf32> to vector<512x128xf32>
    %add3A_247 = arith.addf %add3A_244, %add3A_246 : vector<512x128xf32>
    %max3A_248 = arith.constant 0.000000e+00 : f32
    %max3A_249 = vector.broadcast %max3A_248 : f32 to vector<512x128xf32>
    %max3A_250 = arith.maximumf %add3A_247, %max3A_249 : vector<512x128xf32>
    %lt3A_251 = arith.cmpf olt, %max3A_250, %min3A_238 : vector<512x128xf32>
    %min3A_252 = arith.minimumf %min3A_238, %max3A_250 : vector<512x128xf32>
    %jit3A_253 = arith.constant 2.048000e+03 : f32
    %broadcast_in_dim3A_254 = vector.broadcast %jit3A_253 : f32 to vector<512x128xf32>
    %select_n3A_255 = arith.select %lt3A_251, %broadcast_in_dim3A_254, %select_n3A_241 : vector<512x128xi1>, vector<512x128xf32>
    %slice3A_256 = vector.extract_strided_slice %dot_general3A_17 {offsets = [0, 2176], sizes = [512, 128], strides = [1, 1]} : vector<512x4096xf32> to vector<512x128xf32>
    %add3A_257 = vector.broadcast %add3A_21 : vector<512x1xf32> to vector<512x128xf32>
    %add3A_258 = arith.addf %add3A_257, %slice3A_256 : vector<512x128xf32>
    %slice3A_259 = vector.extract_strided_slice %add3A_26 {offsets = [0, 2176], sizes = [1, 128], strides = [1, 1]} : vector<1x4096xf32> to vector<1x128xf32>
    %add3A_260 = vector.broadcast %slice3A_259 : vector<1x128xf32> to vector<512x128xf32>
    %add3A_261 = arith.addf %add3A_258, %add3A_260 : vector<512x128xf32>
    %max3A_262 = arith.constant 0.000000e+00 : f32
    %max3A_263 = vector.broadcast %max3A_262 : f32 to vector<512x128xf32>
    %max3A_264 = arith.maximumf %add3A_261, %max3A_263 : vector<512x128xf32>
    %lt3A_265 = arith.cmpf olt, %max3A_264, %min3A_252 : vector<512x128xf32>
    %min3A_266 = arith.minimumf %min3A_252, %max3A_264 : vector<512x128xf32>
    %jit3A_267 = arith.constant 2.176000e+03 : f32
    %broadcast_in_dim3A_268 = vector.broadcast %jit3A_267 : f32 to vector<512x128xf32>
    %select_n3A_269 = arith.select %lt3A_265, %broadcast_in_dim3A_268, %select_n3A_255 : vector<512x128xi1>, vector<512x128xf32>
    %slice3A_270 = vector.extract_strided_slice %dot_general3A_17 {offsets = [0, 2304], sizes = [512, 128], strides = [1, 1]} : vector<512x4096xf32> to vector<512x128xf32>
    %add3A_271 = vector.broadcast %add3A_21 : vector<512x1xf32> to vector<512x128xf32>
    %add3A_272 = arith.addf %add3A_271, %slice3A_270 : vector<512x128xf32>
    %slice3A_273 = vector.extract_strided_slice %add3A_26 {offsets = [0, 2304], sizes = [1, 128], strides = [1, 1]} : vector<1x4096xf32> to vector<1x128xf32>
    %add3A_274 = vector.broadcast %slice3A_273 : vector<1x128xf32> to vector<512x128xf32>
    %add3A_275 = arith.addf %add3A_272, %add3A_274 : vector<512x128xf32>
    %max3A_276 = arith.constant 0.000000e+00 : f32
    %max3A_277 = vector.broadcast %max3A_276 : f32 to vector<512x128xf32>
    %max3A_278 = arith.maximumf %add3A_275, %max3A_277 : vector<512x128xf32>
    %lt3A_279 = arith.cmpf olt, %max3A_278, %min3A_266 : vector<512x128xf32>
    %min3A_280 = arith.minimumf %min3A_266, %max3A_278 : vector<512x128xf32>
    %jit3A_281 = arith.constant 2.304000e+03 : f32
    %broadcast_in_dim3A_282 = vector.broadcast %jit3A_281 : f32 to vector<512x128xf32>
    %select_n3A_283 = arith.select %lt3A_279, %broadcast_in_dim3A_282, %select_n3A_269 : vector<512x128xi1>, vector<512x128xf32>
    %slice3A_284 = vector.extract_strided_slice %dot_general3A_17 {offsets = [0, 2432], sizes = [512, 128], strides = [1, 1]} : vector<512x4096xf32> to vector<512x128xf32>
    %add3A_285 = vector.broadcast %add3A_21 : vector<512x1xf32> to vector<512x128xf32>
    %add3A_286 = arith.addf %add3A_285, %slice3A_284 : vector<512x128xf32>
    %slice3A_287 = vector.extract_strided_slice %add3A_26 {offsets = [0, 2432], sizes = [1, 128], strides = [1, 1]} : vector<1x4096xf32> to vector<1x128xf32>
    %add3A_288 = vector.broadcast %slice3A_287 : vector<1x128xf32> to vector<512x128xf32>
    %add3A_289 = arith.addf %add3A_286, %add3A_288 : vector<512x128xf32>
    %max3A_290 = arith.constant 0.000000e+00 : f32
    %max3A_291 = vector.broadcast %max3A_290 : f32 to vector<512x128xf32>
    %max3A_292 = arith.maximumf %add3A_289, %max3A_291 : vector<512x128xf32>
    %lt3A_293 = arith.cmpf olt, %max3A_292, %min3A_280 : vector<512x128xf32>
    %min3A_294 = arith.minimumf %min3A_280, %max3A_292 : vector<512x128xf32>
    %jit3A_295 = arith.constant 2.432000e+03 : f32
    %broadcast_in_dim3A_296 = vector.broadcast %jit3A_295 : f32 to vector<512x128xf32>
    %select_n3A_297 = arith.select %lt3A_293, %broadcast_in_dim3A_296, %select_n3A_283 : vector<512x128xi1>, vector<512x128xf32>
    %slice3A_298 = vector.extract_strided_slice %dot_general3A_17 {offsets = [0, 2560], sizes = [512, 128], strides = [1, 1]} : vector<512x4096xf32> to vector<512x128xf32>
    %add3A_299 = vector.broadcast %add3A_21 : vector<512x1xf32> to vector<512x128xf32>
    %add3A_300 = arith.addf %add3A_299, %slice3A_298 : vector<512x128xf32>
    %slice3A_301 = vector.extract_strided_slice %add3A_26 {offsets = [0, 2560], sizes = [1, 128], strides = [1, 1]} : vector<1x4096xf32> to vector<1x128xf32>
    %add3A_302 = vector.broadcast %slice3A_301 : vector<1x128xf32> to vector<512x128xf32>
    %add3A_303 = arith.addf %add3A_300, %add3A_302 : vector<512x128xf32>
    %max3A_304 = arith.constant 0.000000e+00 : f32
    %max3A_305 = vector.broadcast %max3A_304 : f32 to vector<512x128xf32>
    %max3A_306 = arith.maximumf %add3A_303, %max3A_305 : vector<512x128xf32>
    %lt3A_307 = arith.cmpf olt, %max3A_306, %min3A_294 : vector<512x128xf32>
    %min3A_308 = arith.minimumf %min3A_294, %max3A_306 : vector<512x128xf32>
    %jit3A_309 = arith.constant 2.560000e+03 : f32
    %broadcast_in_dim3A_310 = vector.broadcast %jit3A_309 : f32 to vector<512x128xf32>
    %select_n3A_311 = arith.select %lt3A_307, %broadcast_in_dim3A_310, %select_n3A_297 : vector<512x128xi1>, vector<512x128xf32>
    %slice3A_312 = vector.extract_strided_slice %dot_general3A_17 {offsets = [0, 2688], sizes = [512, 128], strides = [1, 1]} : vector<512x4096xf32> to vector<512x128xf32>
    %add3A_313 = vector.broadcast %add3A_21 : vector<512x1xf32> to vector<512x128xf32>
    %add3A_314 = arith.addf %add3A_313, %slice3A_312 : vector<512x128xf32>
    %slice3A_315 = vector.extract_strided_slice %add3A_26 {offsets = [0, 2688], sizes = [1, 128], strides = [1, 1]} : vector<1x4096xf32> to vector<1x128xf32>
    %add3A_316 = vector.broadcast %slice3A_315 : vector<1x128xf32> to vector<512x128xf32>
    %add3A_317 = arith.addf %add3A_314, %add3A_316 : vector<512x128xf32>
    %max3A_318 = arith.constant 0.000000e+00 : f32
    %max3A_319 = vector.broadcast %max3A_318 : f32 to vector<512x128xf32>
    %max3A_320 = arith.maximumf %add3A_317, %max3A_319 : vector<512x128xf32>
    %lt3A_321 = arith.cmpf olt, %max3A_320, %min3A_308 : vector<512x128xf32>
    %min3A_322 = arith.minimumf %min3A_308, %max3A_320 : vector<512x128xf32>
    %jit3A_323 = arith.constant 2.688000e+03 : f32
    %broadcast_in_dim3A_324 = vector.broadcast %jit3A_323 : f32 to vector<512x128xf32>
    %select_n3A_325 = arith.select %lt3A_321, %broadcast_in_dim3A_324, %select_n3A_311 : vector<512x128xi1>, vector<512x128xf32>
    %slice3A_326 = vector.extract_strided_slice %dot_general3A_17 {offsets = [0, 2816], sizes = [512, 128], strides = [1, 1]} : vector<512x4096xf32> to vector<512x128xf32>
    %add3A_327 = vector.broadcast %add3A_21 : vector<512x1xf32> to vector<512x128xf32>
    %add3A_328 = arith.addf %add3A_327, %slice3A_326 : vector<512x128xf32>
    %slice3A_329 = vector.extract_strided_slice %add3A_26 {offsets = [0, 2816], sizes = [1, 128], strides = [1, 1]} : vector<1x4096xf32> to vector<1x128xf32>
    %add3A_330 = vector.broadcast %slice3A_329 : vector<1x128xf32> to vector<512x128xf32>
    %add3A_331 = arith.addf %add3A_328, %add3A_330 : vector<512x128xf32>
    %max3A_332 = arith.constant 0.000000e+00 : f32
    %max3A_333 = vector.broadcast %max3A_332 : f32 to vector<512x128xf32>
    %max3A_334 = arith.maximumf %add3A_331, %max3A_333 : vector<512x128xf32>
    %lt3A_335 = arith.cmpf olt, %max3A_334, %min3A_322 : vector<512x128xf32>
    %min3A_336 = arith.minimumf %min3A_322, %max3A_334 : vector<512x128xf32>
    %jit3A_337 = arith.constant 2.816000e+03 : f32
    %broadcast_in_dim3A_338 = vector.broadcast %jit3A_337 : f32 to vector<512x128xf32>
    %select_n3A_339 = arith.select %lt3A_335, %broadcast_in_dim3A_338, %select_n3A_325 : vector<512x128xi1>, vector<512x128xf32>
    %slice3A_340 = vector.extract_strided_slice %dot_general3A_17 {offsets = [0, 2944], sizes = [512, 128], strides = [1, 1]} : vector<512x4096xf32> to vector<512x128xf32>
    %add3A_341 = vector.broadcast %add3A_21 : vector<512x1xf32> to vector<512x128xf32>
    %add3A_342 = arith.addf %add3A_341, %slice3A_340 : vector<512x128xf32>
    %slice3A_343 = vector.extract_strided_slice %add3A_26 {offsets = [0, 2944], sizes = [1, 128], strides = [1, 1]} : vector<1x4096xf32> to vector<1x128xf32>
    %add3A_344 = vector.broadcast %slice3A_343 : vector<1x128xf32> to vector<512x128xf32>
    %add3A_345 = arith.addf %add3A_342, %add3A_344 : vector<512x128xf32>
    %max3A_346 = arith.constant 0.000000e+00 : f32
    %max3A_347 = vector.broadcast %max3A_346 : f32 to vector<512x128xf32>
    %max3A_348 = arith.maximumf %add3A_345, %max3A_347 : vector<512x128xf32>
    %lt3A_349 = arith.cmpf olt, %max3A_348, %min3A_336 : vector<512x128xf32>
    %min3A_350 = arith.minimumf %min3A_336, %max3A_348 : vector<512x128xf32>
    %jit3A_351 = arith.constant 2.944000e+03 : f32
    %broadcast_in_dim3A_352 = vector.broadcast %jit3A_351 : f32 to vector<512x128xf32>
    %select_n3A_353 = arith.select %lt3A_349, %broadcast_in_dim3A_352, %select_n3A_339 : vector<512x128xi1>, vector<512x128xf32>
    %slice3A_354 = vector.extract_strided_slice %dot_general3A_17 {offsets = [0, 3072], sizes = [512, 128], strides = [1, 1]} : vector<512x4096xf32> to vector<512x128xf32>
    %add3A_355 = vector.broadcast %add3A_21 : vector<512x1xf32> to vector<512x128xf32>
    %add3A_356 = arith.addf %add3A_355, %slice3A_354 : vector<512x128xf32>
    %slice3A_357 = vector.extract_strided_slice %add3A_26 {offsets = [0, 3072], sizes = [1, 128], strides = [1, 1]} : vector<1x4096xf32> to vector<1x128xf32>
    %add3A_358 = vector.broadcast %slice3A_357 : vector<1x128xf32> to vector<512x128xf32>
    %add3A_359 = arith.addf %add3A_356, %add3A_358 : vector<512x128xf32>
    %max3A_360 = arith.constant 0.000000e+00 : f32
    %max3A_361 = vector.broadcast %max3A_360 : f32 to vector<512x128xf32>
    %max3A_362 = arith.maximumf %add3A_359, %max3A_361 : vector<512x128xf32>
    %lt3A_363 = arith.cmpf olt, %max3A_362, %min3A_350 : vector<512x128xf32>
    %min3A_364 = arith.minimumf %min3A_350, %max3A_362 : vector<512x128xf32>
    %jit3A_365 = arith.constant 3.072000e+03 : f32
    %broadcast_in_dim3A_366 = vector.broadcast %jit3A_365 : f32 to vector<512x128xf32>
    %select_n3A_367 = arith.select %lt3A_363, %broadcast_in_dim3A_366, %select_n3A_353 : vector<512x128xi1>, vector<512x128xf32>
    %slice3A_368 = vector.extract_strided_slice %dot_general3A_17 {offsets = [0, 3200], sizes = [512, 128], strides = [1, 1]} : vector<512x4096xf32> to vector<512x128xf32>
    %add3A_369 = vector.broadcast %add3A_21 : vector<512x1xf32> to vector<512x128xf32>
    %add3A_370 = arith.addf %add3A_369, %slice3A_368 : vector<512x128xf32>
    %slice3A_371 = vector.extract_strided_slice %add3A_26 {offsets = [0, 3200], sizes = [1, 128], strides = [1, 1]} : vector<1x4096xf32> to vector<1x128xf32>
    %add3A_372 = vector.broadcast %slice3A_371 : vector<1x128xf32> to vector<512x128xf32>
    %add3A_373 = arith.addf %add3A_370, %add3A_372 : vector<512x128xf32>
    %max3A_374 = arith.constant 0.000000e+00 : f32
    %max3A_375 = vector.broadcast %max3A_374 : f32 to vector<512x128xf32>
    %max3A_376 = arith.maximumf %add3A_373, %max3A_375 : vector<512x128xf32>
    %lt3A_377 = arith.cmpf olt, %max3A_376, %min3A_364 : vector<512x128xf32>
    %min3A_378 = arith.minimumf %min3A_364, %max3A_376 : vector<512x128xf32>
    %jit3A_379 = arith.constant 3.200000e+03 : f32
    %broadcast_in_dim3A_380 = vector.broadcast %jit3A_379 : f32 to vector<512x128xf32>
    %select_n3A_381 = arith.select %lt3A_377, %broadcast_in_dim3A_380, %select_n3A_367 : vector<512x128xi1>, vector<512x128xf32>
    %slice3A_382 = vector.extract_strided_slice %dot_general3A_17 {offsets = [0, 3328], sizes = [512, 128], strides = [1, 1]} : vector<512x4096xf32> to vector<512x128xf32>
    %add3A_383 = vector.broadcast %add3A_21 : vector<512x1xf32> to vector<512x128xf32>
    %add3A_384 = arith.addf %add3A_383, %slice3A_382 : vector<512x128xf32>
    %slice3A_385 = vector.extract_strided_slice %add3A_26 {offsets = [0, 3328], sizes = [1, 128], strides = [1, 1]} : vector<1x4096xf32> to vector<1x128xf32>
    %add3A_386 = vector.broadcast %slice3A_385 : vector<1x128xf32> to vector<512x128xf32>
    %add3A_387 = arith.addf %add3A_384, %add3A_386 : vector<512x128xf32>
    %max3A_388 = arith.constant 0.000000e+00 : f32
    %max3A_389 = vector.broadcast %max3A_388 : f32 to vector<512x128xf32>
    %max3A_390 = arith.maximumf %add3A_387, %max3A_389 : vector<512x128xf32>
    %lt3A_391 = arith.cmpf olt, %max3A_390, %min3A_378 : vector<512x128xf32>
    %min3A_392 = arith.minimumf %min3A_378, %max3A_390 : vector<512x128xf32>
    %jit3A_393 = arith.constant 3.328000e+03 : f32
    %broadcast_in_dim3A_394 = vector.broadcast %jit3A_393 : f32 to vector<512x128xf32>
    %select_n3A_395 = arith.select %lt3A_391, %broadcast_in_dim3A_394, %select_n3A_381 : vector<512x128xi1>, vector<512x128xf32>
    %slice3A_396 = vector.extract_strided_slice %dot_general3A_17 {offsets = [0, 3456], sizes = [512, 128], strides = [1, 1]} : vector<512x4096xf32> to vector<512x128xf32>
    %add3A_397 = vector.broadcast %add3A_21 : vector<512x1xf32> to vector<512x128xf32>
    %add3A_398 = arith.addf %add3A_397, %slice3A_396 : vector<512x128xf32>
    %slice3A_399 = vector.extract_strided_slice %add3A_26 {offsets = [0, 3456], sizes = [1, 128], strides = [1, 1]} : vector<1x4096xf32> to vector<1x128xf32>
    %add3A_400 = vector.broadcast %slice3A_399 : vector<1x128xf32> to vector<512x128xf32>
    %add3A_401 = arith.addf %add3A_398, %add3A_400 : vector<512x128xf32>
    %max3A_402 = arith.constant 0.000000e+00 : f32
    %max3A_403 = vector.broadcast %max3A_402 : f32 to vector<512x128xf32>
    %max3A_404 = arith.maximumf %add3A_401, %max3A_403 : vector<512x128xf32>
    %lt3A_405 = arith.cmpf olt, %max3A_404, %min3A_392 : vector<512x128xf32>
    %min3A_406 = arith.minimumf %min3A_392, %max3A_404 : vector<512x128xf32>
    %jit3A_407 = arith.constant 3.456000e+03 : f32
    %broadcast_in_dim3A_408 = vector.broadcast %jit3A_407 : f32 to vector<512x128xf32>
    %select_n3A_409 = arith.select %lt3A_405, %broadcast_in_dim3A_408, %select_n3A_395 : vector<512x128xi1>, vector<512x128xf32>
    %slice3A_410 = vector.extract_strided_slice %dot_general3A_17 {offsets = [0, 3584], sizes = [512, 128], strides = [1, 1]} : vector<512x4096xf32> to vector<512x128xf32>
    %add3A_411 = vector.broadcast %add3A_21 : vector<512x1xf32> to vector<512x128xf32>
    %add3A_412 = arith.addf %add3A_411, %slice3A_410 : vector<512x128xf32>
    %slice3A_413 = vector.extract_strided_slice %add3A_26 {offsets = [0, 3584], sizes = [1, 128], strides = [1, 1]} : vector<1x4096xf32> to vector<1x128xf32>
    %add3A_414 = vector.broadcast %slice3A_413 : vector<1x128xf32> to vector<512x128xf32>
    %add3A_415 = arith.addf %add3A_412, %add3A_414 : vector<512x128xf32>
    %max3A_416 = arith.constant 0.000000e+00 : f32
    %max3A_417 = vector.broadcast %max3A_416 : f32 to vector<512x128xf32>
    %max3A_418 = arith.maximumf %add3A_415, %max3A_417 : vector<512x128xf32>
    %lt3A_419 = arith.cmpf olt, %max3A_418, %min3A_406 : vector<512x128xf32>
    %min3A_420 = arith.minimumf %min3A_406, %max3A_418 : vector<512x128xf32>
    %jit3A_421 = arith.constant 3.584000e+03 : f32
    %broadcast_in_dim3A_422 = vector.broadcast %jit3A_421 : f32 to vector<512x128xf32>
    %select_n3A_423 = arith.select %lt3A_419, %broadcast_in_dim3A_422, %select_n3A_409 : vector<512x128xi1>, vector<512x128xf32>
    %slice3A_424 = vector.extract_strided_slice %dot_general3A_17 {offsets = [0, 3712], sizes = [512, 128], strides = [1, 1]} : vector<512x4096xf32> to vector<512x128xf32>
    %add3A_425 = vector.broadcast %add3A_21 : vector<512x1xf32> to vector<512x128xf32>
    %add3A_426 = arith.addf %add3A_425, %slice3A_424 : vector<512x128xf32>
    %slice3A_427 = vector.extract_strided_slice %add3A_26 {offsets = [0, 3712], sizes = [1, 128], strides = [1, 1]} : vector<1x4096xf32> to vector<1x128xf32>
    %add3A_428 = vector.broadcast %slice3A_427 : vector<1x128xf32> to vector<512x128xf32>
    %add3A_429 = arith.addf %add3A_426, %add3A_428 : vector<512x128xf32>
    %max3A_430 = arith.constant 0.000000e+00 : f32
    %max3A_431 = vector.broadcast %max3A_430 : f32 to vector<512x128xf32>
    %max3A_432 = arith.maximumf %add3A_429, %max3A_431 : vector<512x128xf32>
    %lt3A_433 = arith.cmpf olt, %max3A_432, %min3A_420 : vector<512x128xf32>
    %min3A_434 = arith.minimumf %min3A_420, %max3A_432 : vector<512x128xf32>
    %jit3A_435 = arith.constant 3.712000e+03 : f32
    %broadcast_in_dim3A_436 = vector.broadcast %jit3A_435 : f32 to vector<512x128xf32>
    %select_n3A_437 = arith.select %lt3A_433, %broadcast_in_dim3A_436, %select_n3A_423 : vector<512x128xi1>, vector<512x128xf32>
    %slice3A_438 = vector.extract_strided_slice %dot_general3A_17 {offsets = [0, 3840], sizes = [512, 128], strides = [1, 1]} : vector<512x4096xf32> to vector<512x128xf32>
    %add3A_439 = vector.broadcast %add3A_21 : vector<512x1xf32> to vector<512x128xf32>
    %add3A_440 = arith.addf %add3A_439, %slice3A_438 : vector<512x128xf32>
    %slice3A_441 = vector.extract_strided_slice %add3A_26 {offsets = [0, 3840], sizes = [1, 128], strides = [1, 1]} : vector<1x4096xf32> to vector<1x128xf32>
    %add3A_442 = vector.broadcast %slice3A_441 : vector<1x128xf32> to vector<512x128xf32>
    %add3A_443 = arith.addf %add3A_440, %add3A_442 : vector<512x128xf32>
    %max3A_444 = arith.constant 0.000000e+00 : f32
    %max3A_445 = vector.broadcast %max3A_444 : f32 to vector<512x128xf32>
    %max3A_446 = arith.maximumf %add3A_443, %max3A_445 : vector<512x128xf32>
    %lt3A_447 = arith.cmpf olt, %max3A_446, %min3A_434 : vector<512x128xf32>
    %min3A_448 = arith.minimumf %min3A_434, %max3A_446 : vector<512x128xf32>
    %jit3A_449 = arith.constant 3.840000e+03 : f32
    %broadcast_in_dim3A_450 = vector.broadcast %jit3A_449 : f32 to vector<512x128xf32>
    %select_n3A_451 = arith.select %lt3A_447, %broadcast_in_dim3A_450, %select_n3A_437 : vector<512x128xi1>, vector<512x128xf32>
    %slice3A_452 = vector.extract_strided_slice %dot_general3A_17 {offsets = [0, 3968], sizes = [512, 128], strides = [1, 1]} : vector<512x4096xf32> to vector<512x128xf32>
    %add3A_453 = vector.broadcast %add3A_21 : vector<512x1xf32> to vector<512x128xf32>
    %add3A_454 = arith.addf %add3A_453, %slice3A_452 : vector<512x128xf32>
    %slice3A_455 = vector.extract_strided_slice %add3A_26 {offsets = [0, 3968], sizes = [1, 128], strides = [1, 1]} : vector<1x4096xf32> to vector<1x128xf32>
    %add3A_456 = vector.broadcast %slice3A_455 : vector<1x128xf32> to vector<512x128xf32>
    %add3A_457 = arith.addf %add3A_454, %add3A_456 : vector<512x128xf32>
    %max3A_458 = arith.constant 0.000000e+00 : f32
    %max3A_459 = vector.broadcast %max3A_458 : f32 to vector<512x128xf32>
    %max3A_460 = arith.maximumf %add3A_457, %max3A_459 : vector<512x128xf32>
    %lt3A_461 = arith.cmpf olt, %max3A_460, %min3A_448 : vector<512x128xf32>
    %min3A_462 = arith.minimumf %min3A_448, %max3A_460 : vector<512x128xf32>
    %jit3A_463 = arith.constant 3.968000e+03 : f32
    %broadcast_in_dim3A_464 = vector.broadcast %jit3A_463 : f32 to vector<512x128xf32>
    %select_n3A_465 = arith.select %lt3A_461, %broadcast_in_dim3A_464, %select_n3A_451 : vector<512x128xi1>, vector<512x128xf32>
    %get3A_466 = arith.constant 0 : index
    %get3A_467 = arith.constant 0 : index
    %get3A_468 = vector.load %arg6[%get3A_466, %get3A_467] : memref<1x4096xf32, #tpu.memory_space<vmem>>, vector<1x128xf32>
    %add3A_469 = vector.broadcast %get3A_468 : vector<1x128xf32> to vector<512x128xf32>
    %add3A_470 = arith.addf %select_n3A_465, %add3A_469 : vector<512x128xf32>
    %reduce_min3A = arith.constant dense<0x7F800000> : vector<512xf32>
    %reduce_min3A_471 = vector.multi_reduction <minimumf>, %min3A_462, %reduce_min3A [1] : vector<512x128xf32> to vector<512xf32>
    %broadcast_in_dim3A_472 = vector.shape_cast %reduce_min3A_471 : vector<512xf32> to vector<512x1xf32>
    %le3A = vector.broadcast %broadcast_in_dim3A_472 : vector<512x1xf32> to vector<512x128xf32>
    %le3A_473 = arith.cmpf ole, %min3A_462, %le3A : vector<512x128xf32>
    %jit3A_474 = arith.constant 4.096000e+03 : f32
    %broadcast_in_dim3A_475 = vector.broadcast %jit3A_474 : f32 to vector<512x128xf32>
    %select_n3A_476 = arith.select %le3A_473, %add3A_470, %broadcast_in_dim3A_475 : vector<512x128xi1>, vector<512x128xf32>
    %reduce_min3A_477 = arith.constant dense<0x7F800000> : vector<512xf32>
    %reduce_min3A_478 = vector.multi_reduction <minimumf>, %select_n3A_476, %reduce_min3A_477 [1] : vector<512x128xf32> to vector<512xf32>
    %convert_element_type3A_479 = arith.fptosi %reduce_min3A_478 : vector<512xf32> to vector<512xi32>
    %mul3A_480 = arith.constant 4096 : i32
    %mul3A_481 = arith.muli %arg0, %mul3A_480 : i32
    %add3A_482 = vector.broadcast %mul3A_481 : i32 to vector<512xi32>
    %add3A_483 = arith.addi %convert_element_type3A_479, %add3A_482 : vector<512xi32>
    %swap3A = arith.constant 0 : index
    %swap3A_484 = arith.constant 0 : index
    %swap3A_485 = arith.constant 0 : index
    %swap3A_486 = arith.constant 0 : index
    %swap3A_487 = vector.load %arg8[%swap3A, %swap3A_484, %swap3A_485, %swap3A_486] : memref<1x1x1x512xi32, #tpu.memory_space<vmem>>, vector<1x1x1x512xi32>
    %swap3A_488 = vector.shape_cast %swap3A_487 : vector<1x1x1x512xi32> to vector<512xi32>
    %swap3A_489 = vector.shape_cast %add3A_483 : vector<512xi32> to vector<1x1x1x512xi32>
    tpu.vector_store %arg8[%swap3A, %swap3A_484, %swap3A_485, %swap3A_486], %swap3A_489 {strides = array<i32>} : memref<1x1x1x512xi32, #tpu.memory_space<vmem>>, vector<1x1x1x512xi32>,
    %get3A_490 = arith.constant 0 : index
    %get3A_491 = arith.constant 0 : index
    %get3A_492 = arith.constant 0 : index
    %get3A_493 = vector.load %arg4[%get3A_490, %get3A_491, %get3A_492] : memref<1x512x1024xf32, #tpu.memory_space<vmem>>, vector<1x512x1024xf32>
    %get3A_494 = vector.shape_cast %get3A_493 : vector<1x512x1024xf32> to vector<512x1024xf32>
    %convert_element_type3A_495 = arith.truncf %get3A_494 : vector<512x1024xf32> to vector<512x1024xbf16>
    %get3A_496 = arith.constant 0 : index
    %get3A_497 = arith.constant 0 : index
    %get3A_498 = vector.load %arg5[%get3A_496, %get3A_497] : memref<512x256xf32, #tpu.memory_space<vmem>>, vector<512x256xf32>
    %convert_element_type3A_499 = arith.truncf %get3A_498 : vector<512x256xf32> to vector<512x256xbf16>
    %dot_general3A_500 = arith.constant dense<0.000000e+00> : vector<1024x256xf32>
    %dot_general3A_501 = tpu.matmul %convert_element_type3A_495, %convert_element_type3A_499, %dot_general3A_500 {dimension_numbers = #tpu.dot_dimension_numbers<[0], [0], [1], [1], [0, 1, 1, 1], [], []>, transpose_lhs_hint = false} : vector<512x1024xbf16>, vector<512x256xbf16>, vector<1024x256xf32> -> vector<1024x256xf32>
    %swap3A_502 = arith.constant 0 : index
    %swap3A_503 = arith.constant 0 : index
    %swap3A_504 = arith.constant 0 : index
    %swap3A_505 = vector.load %arg7[%swap3A_502, %swap3A_503, %swap3A_504] : memref<1x1024x256xf32, #tpu.memory_space<vmem>>, vector<1x1024x256xf32>
    %swap3A_506 = vector.shape_cast %swap3A_505 : vector<1x1024x256xf32> to vector<1024x256xf32>
    %swap3A_507 = vector.shape_cast %dot_general3A_501 : vector<1024x256xf32> to vector<1x1024x256xf32>
    tpu.vector_store %arg7[%swap3A_502, %swap3A_503, %swap3A_504], %swap3A_507 {strides = array<i32>} : memref<1x1024x256xf32, #tpu.memory_space<vmem>>, vector<1x1024x256xf32>,
    return
  }
  func.func @transform_0(%arg0: i32, %arg1: i32) -> (i32, i32, i32) {
    %c0_i32 = arith.constant 0 : i32
    %c0_i32_0 = arith.constant 0 : i32
    return %arg0, %arg1, %c0_i32 : i32, i32, i32
  }
  func.func @transform_1(%arg0: i32, %arg1: i32) -> (i32, i32, i32) {
    %c0_i32 = arith.constant 0 : i32
    %c0_i32_0 = arith.constant 0 : i32
    %c0_i32_1 = arith.constant 0 : i32
    return %arg0, %c0_i32, %c0_i32_0 : i32, i32, i32
  }
  func.func @transform_2(%arg0: i32, %arg1: i32) -> (i32, i32, i32) {
    %c0_i32 = arith.constant 0 : i32
    %c0_i32_0 = arith.constant 0 : i32
    return %arg0, %c0_i32, %arg1 : i32, i32, i32
  }
  func.func @transform_3(%arg0: i32, %arg1: i32) -> (i32, i32) {
    %c0_i32 = arith.constant 0 : i32
    %c0_i32_0 = arith.constant 0 : i32
    %c0_i32_1 = arith.constant 0 : i32
    return %c0_i32, %c0_i32_0 : i32, i32
  }
  func.func @transform_4(%arg0: i32, %arg1: i32) -> (i32, i32) {
    %c0_i32 = arith.constant 0 : i32
    %c0_i32_0 = arith.constant 0 : i32
    %c0_i32_1 = arith.constant 0 : i32
    return %c0_i32, %c0_i32_0 : i32, i32
  }
  func.func @transform_5(%arg0: i32, %arg1: i32) -> (i32, i32, i32) {
    %c0_i32 = arith.constant 0 : i32
    %c0_i32_0 = arith.constant 0 : i32
    return %arg0, %arg1, %c0_i32 : i32, i32, i32
  }
  func.func @transform_6(%arg0: i32, %arg1: i32) -> (i32, i32, i32, i32) {
    %c0_i32 = arith.constant 0 : i32
    %c0_i32_0 = arith.constant 0 : i32
    %c0_i32_1 = arith.constant 0 : i32
    return %arg0, %arg1, %c0_i32, %c0_i32_0 : i32, i32, i32, i32
  }
}

module attributes {stable_mosaic.version = 14 : i64} {
  func.func @_stage3_body(%arg0: i32, %arg1: memref<256x256xf32, #tpu.memory_space<vmem>>, %arg2: memref<256x256xf32, #tpu.memory_space<vmem>>, %arg3: memref<1x256x2048xf32, #tpu.memory_space<vmem>>, %arg4: memref<1x2048x256xf32, #tpu.memory_space<vmem>>, %arg5: memref<256x1xf32, #tpu.memory_space<vmem>>, %arg6: memref<256x1xf32, #tpu.memory_space<vmem>>, %arg7: memref<1x256x2048xf32, #tpu.memory_space<vmem>>) attributes {dimension_semantics = [#tpu.dimension_semantics<arbitrary>], iteration_bounds = array<i64: 8>, scalar_prefetch = 0 : i64, scratch_operands = 0 : i64, tpu.core_type = #tpu.core_type<tc>, window_params = [{pipeline_mode = #tpu.pipeline_mode<synchronous>, transform_indices = @transform_0, window_bounds = array<i64: 256, 256>}, {pipeline_mode = #tpu.pipeline_mode<synchronous>, transform_indices = @transform_1, window_bounds = array<i64: 256, 256>}, {transform_indices = @transform_2, window_bounds = array<i64: 1, 256, 2048>}, {transform_indices = @transform_3, window_bounds = array<i64: 1, 2048, 256>}, {pipeline_mode = #tpu.pipeline_mode<synchronous>, transform_indices = @transform_4, window_bounds = array<i64: 256, 1>}, {pipeline_mode = #tpu.pipeline_mode<synchronous>, transform_indices = @transform_5, window_bounds = array<i64: 256, 1>}, {transform_indices = @transform_6, window_bounds = array<i64: 1, 256, 2048>}]} {
    %get3A = arith.constant 0 : index
    %get3A_0 = arith.constant 0 : index
    %get3A_1 = vector.load %arg2[%get3A, %get3A_0] : memref<256x256xf32, #tpu.memory_space<vmem>>, vector<256x256xf32>
    %get3A_2 = arith.constant 0 : index
    %get3A_3 = arith.constant 0 : index
    %get3A_4 = vector.load %arg5[%get3A_2, %get3A_3] : memref<256x1xf32, #tpu.memory_space<vmem>>, vector<256x1xf32>
    %dot_general3A = arith.constant dense<0.000000e+00> : vector<256x1xf32>
    %dot_general3A_5 = tpu.matmul %get3A_1, %get3A_4, %dot_general3A {dimension_numbers = #tpu.dot_dimension_numbers<[1], [0], [0], [1], [0, 0, 1, 1], [], []>, transpose_lhs_hint = false} : vector<256x256xf32>, vector<256x1xf32>, vector<256x1xf32> -> vector<256x1xf32>
    %get3A_6 = arith.constant 0 : index
    %get3A_7 = arith.constant 0 : index
    %get3A_8 = vector.load %arg6[%get3A_6, %get3A_7] : memref<256x1xf32, #tpu.memory_space<vmem>>, vector<256x1xf32>
    %add3A = arith.addf %dot_general3A_5, %get3A_8 : vector<256x1xf32>
    %get3A_9 = arith.constant 0 : index
    %get3A_10 = arith.constant 0 : index
    %get3A_11 = vector.load %arg1[%get3A_9, %get3A_10] : memref<256x256xf32, #tpu.memory_space<vmem>>, vector<256x256xf32>
    %get3A_12 = arith.constant 0 : index
    %get3A_13 = arith.constant 0 : index
    %get3A_14 = arith.constant 0 : index
    %get3A_15 = vector.load %arg3[%get3A_12, %get3A_13, %get3A_14] : memref<1x256x2048xf32, #tpu.memory_space<vmem>>, vector<1x256x2048xf32>
    %get3A_16 = vector.shape_cast %get3A_15 : vector<1x256x2048xf32> to vector<256x2048xf32>
    %dot_general3A_17 = arith.constant dense<0.000000e+00> : vector<256x2048xf32>
    %dot_general3A_18 = tpu.matmul %get3A_11, %get3A_16, %dot_general3A_17 {dimension_numbers = #tpu.dot_dimension_numbers<[1], [0], [0], [1], [0, 0, 1, 1], [], []>, transpose_lhs_hint = false} : vector<256x256xf32>, vector<256x2048xf32>, vector<256x2048xf32> -> vector<256x2048xf32>
    %get3A_19 = arith.constant 0 : index
    %get3A_20 = arith.constant 0 : index
    %get3A_21 = vector.load %arg2[%get3A_19, %get3A_20] : memref<256x256xf32, #tpu.memory_space<vmem>>, vector<256x256xf32>
    %get3A_22 = arith.constant 0 : index
    %get3A_23 = arith.constant 0 : index
    %get3A_24 = arith.constant 0 : index
    %get3A_25 = vector.load %arg4[%get3A_22, %get3A_23, %get3A_24] : memref<1x2048x256xf32, #tpu.memory_space<vmem>>, vector<1x2048x256xf32>
    %get3A_26 = vector.shape_cast %get3A_25 : vector<1x2048x256xf32> to vector<2048x256xf32>
    %dot_general3A_27 = arith.constant dense<0.000000e+00> : vector<256x2048xf32>
    %dot_general3A_28 = tpu.matmul %get3A_21, %get3A_26, %dot_general3A_27 {dimension_numbers = #tpu.dot_dimension_numbers<[1], [1], [0], [0], [0, 0, 1, 0], [], []>, transpose_lhs_hint = false} : vector<256x256xf32>, vector<2048x256xf32>, vector<256x2048xf32> -> vector<256x2048xf32>
    %add3A_29 = arith.addf %dot_general3A_18, %dot_general3A_28 : vector<256x2048xf32>
    %add3A_30 = vector.broadcast %add3A : vector<256x1xf32> to vector<256x2048xf32>
    %add3A_31 = arith.addf %add3A_29, %add3A_30 : vector<256x2048xf32>
    %swap3A = arith.constant 0 : index
    %swap3A_32 = arith.constant 0 : index
    %swap3A_33 = arith.constant 0 : index
    %swap3A_34 = vector.load %arg7[%swap3A, %swap3A_32, %swap3A_33] : memref<1x256x2048xf32, #tpu.memory_space<vmem>>, vector<1x256x2048xf32>
    %swap3A_35 = vector.shape_cast %swap3A_34 : vector<1x256x2048xf32> to vector<256x2048xf32>
    %swap3A_36 = vector.shape_cast %add3A_31 : vector<256x2048xf32> to vector<1x256x2048xf32>
    tpu.vector_store %arg7[%swap3A, %swap3A_32, %swap3A_33], %swap3A_36 {strides = array<i32>} : memref<1x256x2048xf32, #tpu.memory_space<vmem>>, vector<1x256x2048xf32>,
    return
  }
  func.func @transform_0(%arg0: i32) -> (i32, i32) {
    %c0_i32 = arith.constant 0 : i32
    %c0_i32_0 = arith.constant 0 : i32
    %c0_i32_1 = arith.constant 0 : i32
    return %c0_i32, %c0_i32_0 : i32, i32
  }
  func.func @transform_1(%arg0: i32) -> (i32, i32) {
    %c0_i32 = arith.constant 0 : i32
    %c0_i32_0 = arith.constant 0 : i32
    %c0_i32_1 = arith.constant 0 : i32
    return %c0_i32, %c0_i32_0 : i32, i32
  }
  func.func @transform_2(%arg0: i32) -> (i32, i32, i32) {
    %c0_i32 = arith.constant 0 : i32
    %c0_i32_0 = arith.constant 0 : i32
    %c0_i32_1 = arith.constant 0 : i32
    return %arg0, %c0_i32, %c0_i32_0 : i32, i32, i32
  }
  func.func @transform_3(%arg0: i32) -> (i32, i32, i32) {
    %c0_i32 = arith.constant 0 : i32
    %c0_i32_0 = arith.constant 0 : i32
    %c0_i32_1 = arith.constant 0 : i32
    return %arg0, %c0_i32, %c0_i32_0 : i32, i32, i32
  }
  func.func @transform_4(%arg0: i32) -> (i32, i32) {
    %c0_i32 = arith.constant 0 : i32
    %c0_i32_0 = arith.constant 0 : i32
    %c0_i32_1 = arith.constant 0 : i32
    return %c0_i32, %c0_i32_0 : i32, i32
  }
  func.func @transform_5(%arg0: i32) -> (i32, i32) {
    %c0_i32 = arith.constant 0 : i32
    %c0_i32_0 = arith.constant 0 : i32
    %c0_i32_1 = arith.constant 0 : i32
    return %c0_i32, %c0_i32_0 : i32, i32
  }
  func.func @transform_6(%arg0: i32) -> (i32, i32, i32) {
    %c0_i32 = arith.constant 0 : i32
    %c0_i32_0 = arith.constant 0 : i32
    %c0_i32_1 = arith.constant 0 : i32
    return %arg0, %c0_i32, %c0_i32_0 : i32, i32, i32
  }
}

</mosaic_0001>

<sc_bundles>
// kernel: kernel.5.cloned.1.call-start
scs
__scs_entry_jumppad:
0x0: {  	(pc) =	sbr.rel $0x88, $3  }
0x1: {  	(tag) =	ssettag $0x0;
	lr =	simm.s32 $0x1  }
0x2: {  	[smem:$0x3F99] =	sst lr;
	_ =	strace $0xD0000000  }
0x3: {  	_ = 	snop  }
0x4: {  	_ = 	snop  }
0x5: {  	_ = 	snop  }
0x6: {  	_ = 	snop  }
0x7: {  	_ = 	snop  }
__scs_overlays_trampoline_lowered:
0x8: {  	[smem:$0x3FA8] =	sst s0  }
0x9: {  	[smem:$0x3FA9] =	sst s1  }
0xa: {  	[smem:$0x3FAA] =	sst s2  }
0xb: {  	[smem:$0x3FAB] =	sst s3  }
0xc: {  	[smem:$0x3FAC] =	sst s4  }
0xd: {  	[smem:$0x3FAD] =	sst s5  }
0xe: {  	[smem:$0x3FAE] =	sst s6  }
0xf: {  	[smem:$0x3FAF] =	sst s7  }
0x10: {  	[smem:$0x3FB0] =	sst s8  }
0x11: {  	[smem:$0x3FB1] =	sst s9;
	s0 =	simm.s32 @!p0 $0x0  }
0x12: {  	s1 =	sld [smem:$0x3F97];
	s0 =	simm.s32 @p0 $0x1  }
0x13: {  	[smem:$0x3FB2] =	sst s0;
	s0 =	simm.s32 @!p1 $0x0  }
0x14: {  	s2 =	sld [smem:$0x3F96];
	s0 =	simm.s32 @p1 $0x1  }
0x15: {  	[smem:$0x3FB3] =	sst s0;
	s0 =	simm.s32 @!p2 $0x0  }
0x16: {  	s3 =	sld [smem:$0x3FDB];
	s0 =	simm.s32 @p2 $0x1  }
0x17: {  	s4 =	simm.s32 $0x1BF5;
	[smem:$0x3FB5] =	sst s0  }
0x18: {  	s0 =	sld [smem:$0x3F98];
	_ =	swait.ge [sflag:s4], $0x0  }
0x19: {  	s7 =	sld [smem:$0x3F99]  }
0x1a: {  	s8 =	sadd.s32 $0xFFFFE003, lr  }
0x1b: {  	s9 =	sadd.s32 $0xFFFFFEF7, lr;
	s5 =	simm.s32 $0xFFFFFFFF;
	p2 =	slt.u32 s8, $0xFFFFF086  }
0x1c: {  	p1 =	slt.u32 s9, $0xF7A;
	s5 =	simm.s32 @!p2 $0x0  }
0x1d: {  	s5 =	simm.s32 @p1 $0x1;
	p0 =	seq.s32 s7, s2  }
0x1e: {  	s7 =	smul.u32 @!p0 $0xF7A, s2;
	p2 =	seq.s32 @!p0 s5, $0x0  }
0x1f: {  	s9 =	smul.u32 $0xF7A, s1;
	s8 =	simm.s32 @!p0 $0x1BF5;
	p2 =	por !p2, p0  }
0x20: {  	[sflag:s8] =	ssyncset.s32 @!p0 $0xFFFFF086;
	s6 =	sadd.s32 @!p0 s3, s7;
	s7 =	simm.s32 @!p0 $0x108  }
0x21: {  	s3 =	sadd.s32 s3, s9;
	s6 =	sadd.s32 @!p0 $0x88, s6;
	s7 =	simm.s32 @p2 $0x1082  }
0x22: {  	[simem:s7], [sflag:s8] =	dma.local @!p0 [hbm:s6], $0xF7A  }
0x23: {  	s9 =	sor.u32 $0xD0000000, s2;
	s6 =	simm.s32 $0x108;
	_ =	swait.ge @!p0 [sflag:s8], $0x0  }
0x24: {  	s3 =	sadd.s32 $0x88, s3;
	s6 =	simm.s32 @!p1 $0x1082;
	[sflag:s4] =	ssyncset.s32 $0xFFFFF086  }
0x25: {  	[simem:s6], [sflag:s4] =	dma.local [hbm:s3], $0xF7A  }
0x26: {  	[smem:$0x3F99] =	sst s1;
	(tag) =	ssettag s2;
	_ =	strace s9  }
0x27: {  	s1 =	sld [smem:$0x3FA9]  }
0x28: {  	s2 =	sld [smem:$0x3FAA]  }
0x29: {  	s4 =	sld [smem:$0x3FAC]  }
0x2a: {  	p0 =	seq.s32 s5, $0x0;
	s5 =	sld [smem:$0x3FAD]  }
0x2b: {  	s6 =	sld [smem:$0x3FAE]  }
0x2c: {  	s7 =	sld [smem:$0x3FAF]  }
0x2d: {  	s3 =	simm.s32 $0x108;
	s8 =	sld [smem:$0x3FB0]  }
0x2e: {  	s3 =	simm.s32 @!p0 $0x1082;
	s9 =	sld [smem:$0x3FB1]  }
0x2f: {  	lr =	sadd.s32 s0, s3;
	s0 =	sld [smem:$0x3FA8]  }
0x30: {  	s3 =	sld [smem:$0x3FAB]  }
0x31: {  	[smem:$0x3FB4] =	sst s10  }
0x32: {  	s10 =	sld [smem:$0x3FB2];
	_ =	sdelay $0x3  }
0x33: {  	p0 =	seq.s32 s10, $0x1;
	s10 =	sld [smem:$0x3FB4];
	_ =	sdelay $0x3  }
0x34: {  	[smem:$0x3FB4] =	sst s10  }
0x35: {  	s10 =	sld [smem:$0x3FB3];
	_ =	sdelay $0x3  }
0x36: {  	p1 =	seq.s32 s10, $0x1;
	s10 =	sld [smem:$0x3FB4];
	_ =	sdelay $0x3  }
0x37: {  	[smem:$0x3FB4] =	sst s10  }
0x38: {  	s10 =	sld [smem:$0x3FB5]  }
0x39: {  	_ = 	snop;
	(pc) =	sbr.ind lr, $3  }
0x3a: {  	_ = 	snop  }
0x3b: {  	_ = 	snop  }
0x3c: {  	p2 =	seq.s32 s10, $0x1;
	s10 =	sld [smem:$0x3FB4]  }
0x3d: {  	_ =	shalt  }
0x3e: {  	_ =	shalt  }
0x3f: {  	_ =	shalt  }
0x40: {  	_ =	shalt  }
0x41: {  	_ =	shalt  }
0x42: {  	_ =	shalt  }
0x43: {  	_ =	shalt  }
0x44: {  	_ =	shalt  }
0x45: {  	_ =	shalt  }
0x46: {  	_ =	shalt  }
0x47: {  	_ =	shalt  }
0x48: {  	_ =	shalt  }
0x49: {  	_ =	shalt  }
0x4a: {  	_ =	shalt  }
0x4b: {  	_ =	shalt  }
0x4c: {  	_ =	shalt  }
0x4d: {  	_ =	shalt  }
0x4e: {  	_ =	shalt  }
0x4f: {  	_ =	shalt  }
0x50: {  	_ =	shalt  }
0x51: {  	_ =	shalt  }
0x52: {  	_ =	shalt  }
0x53: {  	_ =	shalt  }
0x54: {  	_ =	shalt  }
0x55: {  	_ =	shalt  }
0x56: {  	_ =	shalt  }
0x57: {  	_ =	shalt  }
0x58: {  	_ =	shalt  }
0x59: {  	_ =	shalt  }
0x5a: {  	_ =	shalt  }
0x5b: {  	_ =	shalt  }
0x5c: {  	_ =	shalt  }
0x5d: {  	_ =	shalt  }
0x5e: {  	_ =	shalt  }
0x5f: {  	_ =	shalt  }
0x60: {  	_ =	shalt  }
0x61: {  	_ =	shalt  }
0x62: {  	_ =	shalt  }
0x63: {  	_ =	shalt  }
0x64: {  	_ =	shalt  }
0x65: {  	_ =	shalt  }
0x66: {  	_ =	shalt  }
0x67: {  	_ =	shalt  }
0x68: {  	_ =	shalt  }
0x69: {  	_ =	shalt  }
0x6a: {  	_ =	shalt  }
0x6b: {  	_ =	shalt  }
0x6c: {  	_ =	shalt  }
0x6d: {  	_ =	shalt  }
0x6e: {  	_ =	shalt  }
0x6f: {  	_ =	shalt  }
0x70: {  	_ =	shalt  }
0x71: {  	_ =	shalt  }
0x72: {  	_ =	shalt  }
0x73: {  	_ =	shalt  }
0x74: {  	_ =	shalt  }
0x75: {  	_ =	shalt  }
0x76: {  	_ =	shalt  }
0x77: {  	_ =	shalt  }
0x78: {  	_ =	shalt  }
0x79: {  	_ =	shalt  }
0x7a: {  	_ =	shalt  }
0x7b: {  	_ =	shalt  }
0x7c: {  	_ =	shalt  }
0x7d: {  	_ =	shalt  }
0x7e: {  	_ =	shalt  }
0x7f: {  	_ =	shalt  }
0x80: {  	_ =	shalt  }
0x81: {  	_ =	shalt  }
0x82: {  	_ =	shalt  }
0x83: {  	_ =	shalt  }
0x84: {  	_ =	shalt  }
0x85: {  	_ =	shalt  }
0x86: {  	_ =	shalt  }
0x87: {  	_ =	shalt  }
.Lfunc_end0:
.L_simem_size_0:
called_computation_lowered:
.L_overlay_start_0:
0x88: {  	s2 =	sld [smem:$0x3FD9]  }
0x89: {  	s3 =	sld [smem:$0x3FFE];
	_ =	sdelay $0x1  }
0x8a: {  	s1 =	srdreg.scid  }
0x8b: {  	s0 =	sand.u32 $0x1, s1  }
0x8c: {  	s17 =	sshll.u32 s0, $0xA;
	s2 =	sadd.s32 s3, s2  }
0x8d: {  	s2 =	sadd.s32 s2, s17  }
0x8e: {  	[smem:$0x3FC0] =	sst s2  }
0x8f: {  	_ = 	snop  }
0x90: {  	s2 =	sld [smem:$0x3FD0];
	(tm) =	ssettm $0x1  }
0x91: {  	s18 =	sld [smem:$0x3FFB];
	_ =	sdelay $0x3  }
0x92: {  	_ =	strace s18  }
0x93: {  	s3 =	sld [smem:$0x3FFC];
	_ =	sdelay $0x3  }
0x94: {  	_ =	strace s3  }
0x95: {  	s3 =	sld [smem:$0x3FFD];
	_ =	sdelay $0x3  }
0x96: {  	_ =	strace s3  }
0x97: {  	_ =	strace $0x8FFFFFFF  }
0x98: {  	s19 =	sld [smem:$0x3FDB];
	_ =	sdelay $0x1  }
0x99: {  	s4 =	simm.s32 $_scs_section_size  }
0x9a: {  	s5 =	simm.s32 $_size__tile_overlayer_lowered;
	s6 =	simm.s32 $_tile_overlayer_lowered  }
0x9b: {  	s22 =	simm.s32 $0x1BFF;
	s21 =	sshll.u32 s6, $0x1;
	s3 =	sadd.s32 s4, s19  }
0x9c: {  	s7 =	simm.s32 $0x0;
	s20 =	sshll.u32 s5, $0x1;
	s5 =	sadd.s32 s21, s3  }
0x9d: {  	[timem:s7], [sflag:s22] =	dma.local [hbm:s5], s20  }
0x9e: {  	_ =	swait.ge [sflag:s22], s20  }
0x9f: {  	s4 =	ssub.s32 $0x0, s20;
	[sflag:s22] =	ssyncset.done $0x0  }
0xa0: {  	[sflag:s22] =	ssyncadd.s32 s4;
	_ =	sdelay $0x1  }
0xa1: {  	s23 =	simm.s32 $0x1B8B  }
0xa2: {  	_ =	swait.ge [sflag:s23], $0x1  }
0xa3: {  	[sflag:s23] =	ssyncset.done $0x0  }
0xa4: {  	s25 =	simm.s32 $0x1B8E;
	s24 =	sld [smem:$0x3FFE];
	[sflag:s23] =	ssyncadd.s32 $0xFFFFFFFF  }
0xa5: {  	s26 =	simm.s32 $execute0_lowered;
	[smem:$0x3FD2] =	sst s25  }
0xa6: {  	s5 =	sshll.u32 s26, $0x1;
	_ =	strace $0x80000046;
	[dreg:$0x1] =	wrdreg $0xFFFFFFFF  }
0xa7: {  	s28 =	simm.s32 $_size_execute0_lowered;
	s3 =	sadd.s32 s3, s5;
	[dreg:$0x0] =	wrdreg $0x0  }
0xa8: {  	s5 =	sshll.u32 s28, $0x1;
	[dreg:$0x2] =	wrdreg s3  }
0xa9: {  	[dreg:$0x3] =	wrdreg s5  }
0xaa: {  	[dreg:$0x4] =	wrdreg $0xC0  }
0xab: {  	_ =	task [dreg:s7], $0x5FFFF  }
0xac: {  	[dreg:$0x1] =	wrdreg $0xFFFFFFFF  }
0xad: {  	[dreg:$0x0] =	wrdreg $0x60  }
0xae: {  	[dreg:$0x2] =	wrdreg s24  }
0xaf: {  	[dreg:$0x3] =	wrdreg s2  }
0xb0: {  	[dreg:$0x4] =	wrdreg $0x9  }
0xb1: {  	_ =	task.clear_ibuf [dreg:s7], $0x5FFFF;
	_ =	strace $0x90000046  }
0xb2: {  	s29 =	simm.s32 $0x9;
	_ =	strace $0x80000048  }
0xb3: {  	_ =	swait.ge [sflag:s29], $0x1  }
0xb4: {  	[sflag:s29] =	ssyncadd.s32 $0xFFFFFFFF  }
0xb5: {  	_ =	strace $0x90000048  }
0xb6: {  	_ =	sfence  }
0xb7: {  	s30 =	sld [smem:$0x0];
	_ =	sdelay $0x2  }
0xb8: {  	s31 =	sshll.u32 s1, $0xD;
	s1 =	sshrl.u32 s1, $0x2  }
0xb9: {  	s3 =	sand.u32 $0x4000, s31;
	s1 =	sadd.s32 s1, s30  }
0xba: {  	s0 =	sor.u32 s3, s0;
	s1 =	sshll.u32 s1, $0x11  }
0xbb: {  	s0 =	sor.u32 s1, s0  }
0xbc: {  	s0 =	sadd.s32 $0x8F2B, s0  }
0xbd: {  	[sflag:s0] =	ssyncadd.remote.s32 $0x1  }
0xbe: {  	_ =	sfence.sel $0xFFFF  }
0xbf: {  	[dreg:$0x0] =	wrdreg $0xFFFFFFFF;
	(pc) =	sbr.abs _section_cstart, $3  }
0xc0: {  	[dreg:$0x1] =	wrdreg $0xFFFFFFFF  }
0xc1: {  	_ =	task.clear_ibuf [dreg:s7], $0x2FFFF;
	_ =	strace $0x9FFFFFFF  }
0xc2: {  	(tm) =	ssettm $0x7FFFFFFF  }
0xc3: {  	_ =	shalt  }
tec
execute0_lowered:
.L_overlay_start_1:
0x0: {  	(tag) =	ssettag $0x1  }
0x1: {  	s0 =	rddreg [dreg:$0x0]  }
0x2: {  	s1 =	rddreg [dreg:$0x1]  }
0x3: {  	s3 =	srdreg.scid;
	s2 =	simm.s32 $0x0;
	s4 =	stileid.u32  }
0x4: {  	s14 =	simm.s32 $0x2;
	s28 =	simm.s32 $0x5900;
	s29 =	simm.s32 $0x6100  }
0x5: {  	s30 =	simm.s32 $0x6900;
	s31 =	simm.s32 $0x7100;
	s10 =	simm.s32 $0xA100  }
0x6: {  	s11 =	simm.s32 $0xA900;
	s12 =	simm.s32 $0xB100;
	s3 =	sand.u32 $0x1, s3  }
0x7: {  	[smem:$0x7FF] =	sst s2;
	s4 =	sshll.u32 s4, $0xA;
	s15 =	sadd.s32 $0x101200, s0  }
0x8: {  	s5 =	sshll.u32 s3, $0x9;
	_ =	strace $0x80000047;
	s3 =	ssub.s32 $0x2, s3  }
0x9: {  	s4 =	sor.u32 s5, s4;
	s9 =	sshrl.u32 s3, $0x1;
	s5 =	simm.s32 $0x3  }
0xa: {  	s6 =	sshrl.u32 s4, $0x3;
	s7 =	sor.u32 $0x80, s4;
	s17 =	sshll.u32 s4, $0x5  }
0xb: {  	s19 =	sor.u32 $0x100, s4;
	s4 =	sor.u32 $0x180, s4;
	s25 =	ssub.s32 s3, s9  }
0xc: {  	s3 =	sadd.s32 $0x1200, s0;
	s9 =	simm.s32 $0x9900;
	s6 =	sadd.s32 s1, s6  }
0xd: {  	s8 =	sshrl.u32 s7, $0x3;
	s18 =	sadd.s32 s15, s17;
	s20 =	sshrl.u32 s19, $0x3  }
0xe: {  	s7 =	sshll.u32 s7, $0x5;
	s22 =	sshrl.u32 s4, $0x3;
	s23 =	sshll.u32 s19, $0x5  }
0xf: {  	s4 =	sshll.u32 s4, $0x5;
	s17 =	simm.s32 $0x1100;
	[dreg:$0x3] =	wrdreg s6  }
0x10: {  	s19 =	simm.s32 $0x2100;
	s16 =	sadd.s32 s1, s8;
	[dreg:$0x5] =	wrdreg s18  }
0x11: {  	s6 =	sadd.s32 s1, s20;
	s21 =	sadd.s32 s15, s7;
	s1 =	sadd.s32 s1, s22  }
0x12: {  	s24 =	sadd.s32 s15, s23;
	s26 =	sadd.s32 s15, s4;
	[dreg:$0x4] =	wrdreg s16  }
0x13: {  	s4 =	smax.u32 s25, $0x1;
	s18 =	simm.s32 $0x1900;
	[dreg:$0x6] =	wrdreg s6  }
0x14: {  	s20 =	simm.s32 $0x2900;
	s22 =	simm.s32 $0x3900;
	[dreg:$0x7] =	wrdreg s21  }
0x15: {  	s25 =	simm.s32 $0x4900;
	s23 =	simm.s32 $0x80;
	[dreg:$0x8] =	wrdreg s1  }
0x16: {  	v2 =	vlaneseq.u32;
	s7 =	simm.s32 $0x8900;
	s8 =	simm.s32 $0x9100;
	[dreg:$0x9] =	wrdreg s24  }
0x17: {  	vm0 =	vmmov $0xffff;
	v1 =	vshrl.u32 v2, $0x3;
	[dreg:$0xa] =	wrdreg s26;
	s6 =	simm.s32 $0x1;
	s16 =	simm.s32 $0x900  }
0x18: {  	v0 =	vand.u32 $0x7, v2;
	v2 =	vor.u32 $0x8, v2;
	v1 =	vmul.u32 $0x8, v1;
	s21 =	simm.s32 $0x3100;
	s24 =	simm.s32 $0x4100;
	s26 =	simm.s32 $0x5100  }
.LBB2_1:
0x19: {  	s15 =	rddreg [dreg:$0x3]  }
0x1a: {  	[tilespmem:s2], [sflag:$0x3] =	stream.linear.gather [hbm4b:s15+s2], $0x80, $0x38;
	[tilespmem:$0x10100] =	vst v63  }
0x1b: {  	_ =	swait.ge [sflag:s5], $0x80  }
0x1c: {  	[sflag:s5] =	ssyncset.done $0x0  }
0x1d: {  	[sflag:s5] =	ssyncadd.s32 $0xFFFFFF80  }
0x1e: {  	v3 =	vld [tilespmem:$0x0];
	_ =	sdelay $0x4  }
0x1f: {  	v4 =	vshll.u32 v3, $0x1  }
0x20: {  	v3 =	vand.u32 $0x7, v3;
	v4 =	vand.u32 $0xFFFFFFF0, v4  }
0x21: {  	v3 =	vor.u32 v3, v4  }
0x22: {  	v4 =	vperm.xlane v3, v0;
	_ =	sdelay $0x1  }
0x23: {  	v3 =	vperm.xlane v3, v2;
	v4 =	vadd.s32 v1, v4;
	_ =	sdelay $0x1  }
0x24: {  	v3 =	vadd.s32 v1, v3;
	_ =	sdelay $0x1  }
0x25: {  	s0 =	simm.s32 $0x100  }
0x26: {  	[tilespmem:s0], [sflag:$0x1] =	stream.indirect_vreg.gather [hbm4b:s3+s2], $0x80, v4, vm0, $0xb8;
	[tilespmem:$0x10100] =	vst v63  }
0x27: {  	_ = 	snop  }
0x28: {  	[tilespmem:s16], [sflag:$0x1] =	stream.indirect_vreg.gather [hbm4b:s3+s2], $0x80, v3, vm0, $0xb8;
	[tilespmem:$0x10100] =	vst v63  }
0x29: {  	v3 =	vld [tilespmem:$0x10];
	_ =	sdelay $0x4  }
0x2a: {  	v33 =	vshll.u32 v3, $0x1  }
0x2b: {  	v3 =	vand.u32 $0x7, v3;
	v4 =	vand.u32 $0xFFFFFFF0, v33  }
0x2c: {  	v3 =	vor.u32 v3, v4  }
0x2d: {  	v4 =	vperm.xlane v3, v0;
	_ =	sdelay $0x1  }
0x2e: {  	v3 =	vperm.xlane v3, v2;
	v4 =	vadd.s32 v1, v4;
	_ =	sdelay $0x1  }
0x2f: {  	v3 =	vadd.s32 v1, v3;
	_ =	sdelay $0x2  }
0x30: {  	[tilespmem:s17], [sflag:$0x1] =	stream.indirect_vreg.gather [hbm4b:s3+s2], $0x80, v4, vm0, $0xb8;
	[tilespmem:$0x10100] =	vst v63  }
0x31: {  	_ = 	snop  }
0x32: {  	[tilespmem:s18], [sflag:$0x1] =	stream.indirect_vreg.gather [hbm4b:s3+s2], $0x80, v3, vm0, $0xb8;
	[tilespmem:$0x10100] =	vst v63  }
0x33: {  	v3 =	vld [tilespmem:$0x20];
	_ =	sdelay $0x4  }
0x34: {  	v34 =	vshll.u32 v3, $0x1  }
0x35: {  	v3 =	vand.u32 $0x7, v3;
	v4 =	vand.u32 $0xFFFFFFF0, v34  }
0x36: {  	v3 =	vor.u32 v3, v4  }
0x37: {  	v4 =	vperm.xlane v3, v0;
	_ =	sdelay $0x1  }
0x38: {  	v3 =	vperm.xlane v3, v2;
	v4 =	vadd.s32 v1, v4;
	_ =	sdelay $0x1  }
0x39: {  	v3 =	vadd.s32 v1, v3;
	_ =	sdelay $0x2  }
0x3a: {  	[tilespmem:s19], [sflag:$0x1] =	stream.indirect_vreg.gather [hbm4b:s3+s2], $0x80, v4, vm0, $0xb8;
	[tilespmem:$0x10100] =	vst v63  }
0x3b: {  	_ = 	snop  }
0x3c: {  	[tilespmem:s20], [sflag:$0x1] =	stream.indirect_vreg.gather [hbm4b:s3+s2], $0x80, v3, vm0, $0xb8;
	[tilespmem:$0x10100] =	vst v63  }
0x3d: {  	v3 =	vld [tilespmem:$0x30];
	_ =	sdelay $0x4  }
0x3e: {  	v35 =	vshll.u32 v3, $0x1  }
0x3f: {  	v3 =	vand.u32 $0x7, v3;
	v4 =	vand.u32 $0xFFFFFFF0, v35  }
0x40: {  	v3 =	vor.u32 v3, v4  }
0x41: {  	v4 =	vperm.xlane v3, v0;
	_ =	sdelay $0x1  }
0x42: {  	v3 =	vperm.xlane v3, v2;
	v4 =	vadd.s32 v1, v4;
	_ =	sdelay $0x1  }
0x43: {  	v3 =	vadd.s32 v1, v3;
	_ =	sdelay $0x2  }
0x44: {  	[tilespmem:s21], [sflag:$0x1] =	stream.indirect_vreg.gather [hbm4b:s3+s2], $0x80, v4, vm0, $0xb8;
	[tilespmem:$0x10100] =	vst v63  }
0x45: {  	_ = 	snop  }
0x46: {  	[tilespmem:s22], [sflag:$0x1] =	stream.indirect_vreg.gather [hbm4b:s3+s2], $0x80, v3, vm0, $0xb8;
	[tilespmem:$0x10100] =	vst v63  }
0x47: {  	v3 =	vld [tilespmem:$0x40];
	_ =	sdelay $0x4  }
0x48: {  	v36 =	vshll.u32 v3, $0x1  }
0x49: {  	v3 =	vand.u32 $0x7, v3;
	v4 =	vand.u32 $0xFFFFFFF0, v36  }
0x4a: {  	v3 =	vor.u32 v3, v4  }
0x4b: {  	v4 =	vperm.xlane v3, v0;
	_ =	sdelay $0x1  }
0x4c: {  	v3 =	vperm.xlane v3, v2;
	v4 =	vadd.s32 v1, v4;
	_ =	sdelay $0x1  }
0x4d: {  	v3 =	vadd.s32 v1, v3;
	_ =	sdelay $0x2  }
0x4e: {  	[tilespmem:s24], [sflag:$0x1] =	stream.indirect_vreg.gather [hbm4b:s3+s2], $0x80, v4, vm0, $0xb8;
	[tilespmem:$0x10100] =	vst v63  }
0x4f: {  	_ = 	snop  }
0x50: {  	[tilespmem:s25], [sflag:$0x1] =	stream.indirect_vreg.gather [hbm4b:s3+s2], $0x80, v3, vm0, $0xb8;
	[tilespmem:$0x10100] =	vst v63  }
0x51: {  	v3 =	vld [tilespmem:$0x50];
	_ =	sdelay $0x4  }
0x52: {  	v37 =	vshll.u32 v3, $0x1  }
0x53: {  	v3 =	vand.u32 $0x7, v3;
	v4 =	vand.u32 $0xFFFFFFF0, v37  }
0x54: {  	v3 =	vor.u32 v3, v4  }
0x55: {  	v4 =	vperm.xlane v3, v0;
	_ =	sdelay $0x1  }
0x56: {  	v3 =	vperm.xlane v3, v2;
	v4 =	vadd.s32 v1, v4;
	_ =	sdelay $0x1  }
0x57: {  	v3 =	vadd.s32 v1, v3;
	_ =	sdelay $0x2  }
0x58: {  	[tilespmem:s26], [sflag:$0x1] =	stream.indirect_vreg.gather [hbm4b:s3+s2], $0x80, v4, vm0, $0xb8;
	[tilespmem:$0x10100] =	vst v63  }
0x59: {  	_ = 	snop  }
0x5a: {  	[tilespmem:s28], [sflag:$0x1] =	stream.indirect_vreg.gather [hbm4b:s3+s2], $0x80, v3, vm0, $0xb8;
	[tilespmem:$0x10100] =	vst v63  }
0x5b: {  	v3 =	vld [tilespmem:$0x60];
	_ =	sdelay $0x4  }
0x5c: {  	v38 =	vshll.u32 v3, $0x1  }
0x5d: {  	v3 =	vand.u32 $0x7, v3;
	v4 =	vand.u32 $0xFFFFFFF0, v38  }
0x5e: {  	v3 =	vor.u32 v3, v4  }
0x5f: {  	v4 =	vperm.xlane v3, v0;
	_ =	sdelay $0x1  }
0x60: {  	v3 =	vperm.xlane v3, v2;
	v4 =	vadd.s32 v1, v4;
	_ =	sdelay $0x1  }
0x61: {  	v3 =	vadd.s32 v1, v3;
	_ =	sdelay $0x2  }
0x62: {  	[tilespmem:s29], [sflag:$0x1] =	stream.indirect_vreg.gather [hbm4b:s3+s2], $0x80, v4, vm0, $0xb8;
	[tilespmem:$0x10100] =	vst v63  }
0x63: {  	_ = 	snop  }
0x64: {  	[tilespmem:s30], [sflag:$0x1] =	stream.indirect_vreg.gather [hbm4b:s3+s2], $0x80, v3, vm0, $0xb8;
	[tilespmem:$0x10100] =	vst v63  }
0x65: {  	v3 =	vld [tilespmem:$0x70];
	_ =	sdelay $0x4  }
0x66: {  	v39 =	vshll.u32 v3, $0x1  }
0x67: {  	v3 =	vand.u32 $0x7, v3;
	v4 =	vand.u32 $0xFFFFFFF0, v39  }
0x68: {  	v3 =	vor.u32 v3, v4  }
0x69: {  	v4 =	vperm.xlane v3, v0;
	_ =	sdelay $0x1  }
0x6a: {  	v3 =	vperm.xlane v3, v2;
	v4 =	vadd.s32 v1, v4;
	_ =	sdelay $0x1  }
0x6b: {  	v3 =	vadd.s32 v1, v3;
	_ =	sdelay $0x2  }
0x6c: {  	[tilespmem:s31], [sflag:$0x1] =	stream.indirect_vreg.gather [hbm4b:s3+s2], $0x80, v4, vm0, $0xb8;
	[tilespmem:$0x10100] =	vst v63  }
0x6d: {  	s1 =	simm.s32 $0x7900  }
0x6e: {  	[tilespmem:s1], [sflag:$0x1] =	stream.indirect_vreg.gather [hbm4b:s3+s2], $0x80, v3, vm0, $0xb8;
	[tilespmem:$0x10100] =	vst v63  }
0x6f: {  	s13 =	rddreg [dreg:$0x4]  }
0x70: {  	[tilespmem:s23], [sflag:$0x3] =	stream.linear.gather [hbm4b:s13+s2], $0x80, $0x38;
	[tilespmem:$0x10100] =	vst v63  }
0x71: {  	_ =	swait.ge [sflag:s5], $0x80  }
0x72: {  	[sflag:s5] =	ssyncset.done $0x0  }
0x73: {  	[sflag:s5] =	ssyncadd.s32 $0xFFFFFF80  }
0x74: {  	v3 =	vld [tilespmem:$0x80];
	_ =	sdelay $0x4  }
0x75: {  	v40 =	vshll.u32 v3, $0x1  }
0x76: {  	v3 =	vand.u32 $0x7, v3;
	v4 =	vand.u32 $0xFFFFFFF0, v40  }
0x77: {  	v3 =	vor.u32 v3, v4  }
0x78: {  	v4 =	vperm.xlane v3, v0;
	_ =	sdelay $0x1  }
0x79: {  	v3 =	vperm.xlane v3, v2;
	v4 =	vadd.s32 v1, v4;
	_ =	sdelay $0x1  }
0x7a: {  	v3 =	vadd.s32 v1, v3;
	_ =	sdelay $0x1  }
0x7b: {  	s0 =	simm.s32 $0x8100  }
0x7c: {  	[tilespmem:s0], [sflag:$0x2] =	stream.indirect_vreg.gather [hbm4b:s3+s2], $0x80, v4, vm0, $0xb8;
	[tilespmem:$0x10100] =	vst v63  }
0x7d: {  	_ = 	snop  }
0x7e: {  	[tilespmem:s7], [sflag:$0x2] =	stream.indirect_vreg.gather [hbm4b:s3+s2], $0x80, v3, vm0, $0xb8;
	[tilespmem:$0x10100] =	vst v63  }
0x7f: {  	v3 =	vld [tilespmem:$0x90];
	_ =	sdelay $0x4  }
0x80: {  	v41 =	vshll.u32 v3, $0x1  }
0x81: {  	v3 =	vand.u32 $0x7, v3;
	v4 =	vand.u32 $0xFFFFFFF0, v41  }
0x82: {  	v3 =	vor.u32 v3, v4  }
0x83: {  	v4 =	vperm.xlane v3, v0;
	_ =	sdelay $0x1  }
0x84: {  	v3 =	vperm.xlane v3, v2;
	v4 =	vadd.s32 v1, v4;
	_ =	sdelay $0x1  }
0x85: {  	v3 =	vadd.s32 v1, v3;
	_ =	sdelay $0x2  }
0x86: {  	[tilespmem:s8], [sflag:$0x2] =	stream.indirect_vreg.gather [hbm4b:s3+s2], $0x80, v4, vm0, $0xb8;
	[tilespmem:$0x10100] =	vst v63  }
0x87: {  	_ = 	snop  }
0x88: {  	[tilespmem:s9], [sflag:$0x2] =	stream.indirect_vreg.gather [hbm4b:s3+s2], $0x80, v3, vm0, $0xb8;
	[tilespmem:$0x10100] =	vst v63  }
0x89: {  	v3 =	vld [tilespmem:$0xA0];
	_ =	sdelay $0x4  }
0x8a: {  	v42 =	vshll.u32 v3, $0x1  }
0x8b: {  	v3 =	vand.u32 $0x7, v3;
	v4 =	vand.u32 $0xFFFFFFF0, v42  }
0x8c: {  	v3 =	vor.u32 v3, v4  }
0x8d: {  	v4 =	vperm.xlane v3, v0;
	_ =	sdelay $0x1  }
0x8e: {  	v3 =	vperm.xlane v3, v2;
	v4 =	vadd.s32 v1, v4;
	_ =	sdelay $0x1  }
0x8f: {  	v3 =	vadd.s32 v1, v3;
	_ =	sdelay $0x2  }
0x90: {  	[tilespmem:s10], [sflag:$0x2] =	stream.indirect_vreg.gather [hbm4b:s3+s2], $0x80, v4, vm0, $0xb8;
	[tilespmem:$0x10100] =	vst v63  }
0x91: {  	_ = 	snop  }
0x92: {  	[tilespmem:s11], [sflag:$0x2] =	stream.indirect_vreg.gather [hbm4b:s3+s2], $0x80, v3, vm0, $0xb8;
	[tilespmem:$0x10100] =	vst v63  }
0x93: {  	v3 =	vld [tilespmem:$0xB0];
	_ =	sdelay $0x4  }
0x94: {  	v43 =	vshll.u32 v3, $0x1  }
0x95: {  	v3 =	vand.u32 $0x7, v3;
	v4 =	vand.u32 $0xFFFFFFF0, v43  }
0x96: {  	v3 =	vor.u32 v3, v4  }
0x97: {  	v4 =	vperm.xlane v3, v0;
	_ =	sdelay $0x1  }
0x98: {  	v3 =	vperm.xlane v3, v2;
	v4 =	vadd.s32 v1, v4;
	_ =	sdelay $0x1  }
0x99: {  	v3 =	vadd.s32 v1, v3;
	_ =	sdelay $0x2  }
0x9a: {  	[tilespmem:s12], [sflag:$0x2] =	stream.indirect_vreg.gather [hbm4b:s3+s2], $0x80, v4, vm0, $0xb8;
	[tilespmem:$0x10100] =	vst v63  }
0x9b: {  	s13 =	simm.s32 $0xB900  }
0x9c: {  	[tilespmem:s13], [sflag:$0x2] =	stream.indirect_vreg.gather [hbm4b:s3+s2], $0x80, v3, vm0, $0xb8;
	[tilespmem:$0x10100] =	vst v63  }
0x9d: {  	v3 =	vld [tilespmem:$0xC0];
	_ =	sdelay $0x4  }
0x9e: {  	v44 =	vshll.u32 v3, $0x1  }
0x9f: {  	v3 =	vand.u32 $0x7, v3;
	v4 =	vand.u32 $0xFFFFFFF0, v44  }
0xa0: {  	v3 =	vor.u32 v3, v4  }
0xa1: {  	v4 =	vperm.xlane v3, v0;
	_ =	sdelay $0x1  }
0xa2: {  	v3 =	vperm.xlane v3, v2;
	v4 =	vadd.s32 v1, v4;
	_ =	sdelay $0x1  }
0xa3: {  	v3 =	vadd.s32 v1, v3;
	_ =	sdelay $0x1  }
0xa4: {  	s15 =	simm.s32 $0xC100  }
0xa5: {  	[tilespmem:s15], [sflag:$0x2] =	stream.indirect_vreg.gather [hbm4b:s3+s2], $0x80, v4, vm0, $0xb8;
	[tilespmem:$0x10100] =	vst v63  }
0xa6: {  	s15 =	simm.s32 $0xC900  }
0xa7: {  	[tilespmem:s15], [sflag:$0x2] =	stream.indirect_vreg.gather [hbm4b:s3+s2], $0x80, v3, vm0, $0xb8;
	[tilespmem:$0x10100] =	vst v63  }
0xa8: {  	v3 =	vld [tilespmem:$0xD0];
	_ =	sdelay $0x4  }
0xa9: {  	v45 =	vshll.u32 v3, $0x1  }
0xaa: {  	v3 =	vand.u32 $0x7, v3;
	v4 =	vand.u32 $0xFFFFFFF0, v45  }
0xab: {  	v3 =	vor.u32 v3, v4  }
0xac: {  	v4 =	vperm.xlane v3, v0;
	_ =	sdelay $0x1  }
0xad: {  	v3 =	vperm.xlane v3, v2;
	v4 =	vadd.s32 v1, v4;
	_ =	sdelay $0x1  }
0xae: {  	v3 =	vadd.s32 v1, v3;
	_ =	sdelay $0x1  }
0xaf: {  	s15 =	simm.s32 $0xD100  }
0xb0: {  	[tilespmem:s15], [sflag:$0x2] =	stream.indirect_vreg.gather [hbm4b:s3+s2], $0x80, v4, vm0, $0xb8;
	[tilespmem:$0x10100] =	vst v63  }
0xb1: {  	s15 =	simm.s32 $0xD900  }
0xb2: {  	[tilespmem:s15], [sflag:$0x2] =	stream.indirect_vreg.gather [hbm4b:s3+s2], $0x80, v3, vm0, $0xb8;
	[tilespmem:$0x10100] =	vst v63  }
0xb3: {  	v3 =	vld [tilespmem:$0xE0];
	_ =	sdelay $0x4  }
0xb4: {  	v46 =	vshll.u32 v3, $0x1  }
0xb5: {  	v3 =	vand.u32 $0x7, v3;
	v4 =	vand.u32 $0xFFFFFFF0, v46  }
0xb6: {  	v3 =	vor.u32 v3, v4  }
0xb7: {  	v4 =	vperm.xlane v3, v0;
	_ =	sdelay $0x1  }
0xb8: {  	v3 =	vperm.xlane v3, v2;
	v4 =	vadd.s32 v1, v4;
	_ =	sdelay $0x1  }
0xb9: {  	v3 =	vadd.s32 v1, v3;
	_ =	sdelay $0x1  }
0xba: {  	s15 =	simm.s32 $0xE100  }
0xbb: {  	[tilespmem:s15], [sflag:$0x2] =	stream.indirect_vreg.gather [hbm4b:s3+s2], $0x80, v4, vm0, $0xb8;
	[tilespmem:$0x10100] =	vst v63  }
0xbc: {  	s15 =	simm.s32 $0xE900  }
0xbd: {  	[tilespmem:s15], [sflag:$0x2] =	stream.indirect_vreg.gather [hbm4b:s3+s2], $0x80, v3, vm0, $0xb8;
	[tilespmem:$0x10100] =	vst v63  }
0xbe: {  	v3 =	vld [tilespmem:$0xF0];
	_ =	sdelay $0x4  }
0xbf: {  	v47 =	vshll.u32 v3, $0x1  }
0xc0: {  	v3 =	vand.u32 $0x7, v3;
	v4 =	vand.u32 $0xFFFFFFF0, v47  }
0xc1: {  	v3 =	vor.u32 v3, v4  }
0xc2: {  	v4 =	vperm.xlane v3, v0;
	_ =	sdelay $0x1  }
0xc3: {  	v3 =	vperm.xlane v3, v2;
	v4 =	vadd.s32 v1, v4;
	_ =	sdelay $0x1  }
0xc4: {  	v3 =	vadd.s32 v1, v3;
	_ =	sdelay $0x1  }
0xc5: {  	s15 =	simm.s32 $0xF100  }
0xc6: {  	[tilespmem:s15], [sflag:$0x2] =	stream.indirect_vreg.gather [hbm4b:s3+s2], $0x80, v4, vm0, $0xb8;
	[tilespmem:$0x10100] =	vst v63  }
0xc7: {  	s15 =	simm.s32 $0xF900  }
0xc8: {  	[tilespmem:s15], [sflag:$0x2] =	stream.indirect_vreg.gather [hbm4b:s3+s2], $0x80, v3, vm0, $0xb8;
	[tilespmem:$0x10100] =	vst v63  }
0xc9: {  	_ =	swait.ge [sflag:s6], $0x8000  }
0xca: {  	[sflag:s6] =	ssyncset.done $0x0  }
0xcb: {  	s13 =	simm.s32 $0x100;
	s15 =	rddreg [dreg:$0x5];
	[sflag:s6] =	ssyncadd.s32 $0xFFFF8000  }
0xcc: {  	[hbm4b:s15+s2] =	stream.linear.scatter [tilespmem:s13], [sflag:$0x3], $0x8000, $0x38;
	[tilespmem:$0x10100] =	vst v63  }
0xcd: {  	_ =	swait.ge [sflag:s5], $0x8000  }
0xce: {  	[sflag:s5] =	ssyncset.done $0x0  }
0xcf: {  	s15 =	rddreg [dreg:$0x6];
	[sflag:s5] =	ssyncadd.s32 $0xFFFF8000  }
0xd0: {  	[tilespmem:s2], [sflag:$0x3] =	stream.linear.gather [hbm4b:s15+s2], $0x80, $0x38;
	[tilespmem:$0x10100] =	vst v63  }
0xd1: {  	_ =	swait.ge [sflag:s5], $0x80  }
0xd2: {  	[sflag:s5] =	ssyncset.done $0x0  }
0xd3: {  	[sflag:s5] =	ssyncadd.s32 $0xFFFFFF80  }
0xd4: {  	v3 =	vld [tilespmem:$0x0];
	_ =	sdelay $0x4  }
0xd5: {  	v48 =	vshll.u32 v3, $0x1  }
0xd6: {  	v3 =	vand.u32 $0x7, v3;
	v4 =	vand.u32 $0xFFFFFFF0, v48  }
0xd7: {  	v3 =	vor.u32 v3, v4  }
0xd8: {  	v4 =	vperm.xlane v3, v0;
	_ =	sdelay $0x1  }
0xd9: {  	v3 =	vperm.xlane v3, v2;
	v4 =	vadd.s32 v1, v4;
	_ =	sdelay $0x1  }
0xda: {  	v3 =	vadd.s32 v1, v3;
	_ =	sdelay $0x2  }
0xdb: {  	[tilespmem:s13], [sflag:$0x1] =	stream.indirect_vreg.gather [hbm4b:s3+s2], $0x80, v4, vm0, $0xb8;
	[tilespmem:$0x10100] =	vst v63  }
0xdc: {  	_ = 	snop  }
0xdd: {  	[tilespmem:s16], [sflag:$0x1] =	stream.indirect_vreg.gather [hbm4b:s3+s2], $0x80, v3, vm0, $0xb8;
	[tilespmem:$0x10100] =	vst v63  }
0xde: {  	v3 =	vld [tilespmem:$0x10];
	_ =	sdelay $0x4  }
0xdf: {  	v49 =	vshll.u32 v3, $0x1  }
0xe0: {  	v3 =	vand.u32 $0x7, v3;
	v4 =	vand.u32 $0xFFFFFFF0, v49  }
0xe1: {  	v3 =	vor.u32 v3, v4  }
0xe2: {  	v4 =	vperm.xlane v3, v0;
	_ =	sdelay $0x1  }
0xe3: {  	v3 =	vperm.xlane v3, v2;
	v4 =	vadd.s32 v1, v4;
	_ =	sdelay $0x1  }
0xe4: {  	v3 =	vadd.s32 v1, v3;
	_ =	sdelay $0x2  }
0xe5: {  	[tilespmem:s17], [sflag:$0x1] =	stream.indirect_vreg.gather [hbm4b:s3+s2], $0x80, v4, vm0, $0xb8;
	[tilespmem:$0x10100] =	vst v63  }
0xe6: {  	_ = 	snop  }
0xe7: {  	[tilespmem:s18], [sflag:$0x1] =	stream.indirect_vreg.gather [hbm4b:s3+s2], $0x80, v3, vm0, $0xb8;
	[tilespmem:$0x10100] =	vst v63  }
0xe8: {  	v3 =	vld [tilespmem:$0x20];
	_ =	sdelay $0x4  }
0xe9: {  	v50 =	vshll.u32 v3, $0x1  }
0xea: {  	v3 =	vand.u32 $0x7, v3;
	v4 =	vand.u32 $0xFFFFFFF0, v50  }
0xeb: {  	v3 =	vor.u32 v3, v4  }
0xec: {  	v4 =	vperm.xlane v3, v0;
	_ =	sdelay $0x1  }
0xed: {  	v3 =	vperm.xlane v3, v2;
	v4 =	vadd.s32 v1, v4;
	_ =	sdelay $0x1  }
0xee: {  	v3 =	vadd.s32 v1, v3;
	_ =	sdelay $0x2  }
0xef: {  	[tilespmem:s19], [sflag:$0x1] =	stream.indirect_vreg.gather [hbm4b:s3+s2], $0x80, v4, vm0, $0xb8;
	[tilespmem:$0x10100] =	vst v63  }
0xf0: {  	_ = 	snop  }
0xf1: {  	[tilespmem:s20], [sflag:$0x1] =	stream.indirect_vreg.gather [hbm4b:s3+s2], $0x80, v3, vm0, $0xb8;
	[tilespmem:$0x10100] =	vst v63  }
0xf2: {  	v3 =	vld [tilespmem:$0x30];
	_ =	sdelay $0x4  }
0xf3: {  	v51 =	vshll.u32 v3, $0x1  }
0xf4: {  	v3 =	vand.u32 $0x7, v3;
	v4 =	vand.u32 $0xFFFFFFF0, v51  }
0xf5: {  	v3 =	vor.u32 v3, v4  }
0xf6: {  	v4 =	vperm.xlane v3, v0;
	_ =	sdelay $0x1  }
0xf7: {  	v3 =	vperm.xlane v3, v2;
	v4 =	vadd.s32 v1, v4;
	_ =	sdelay $0x1  }
0xf8: {  	v3 =	vadd.s32 v1, v3;
	_ =	sdelay $0x2  }
0xf9: {  	[tilespmem:s21], [sflag:$0x1] =	stream.indirect_vreg.gather [hbm4b:s3+s2], $0x80, v4, vm0, $0xb8;
	[tilespmem:$0x10100] =	vst v63  }
0xfa: {  	_ = 	snop  }
0xfb: {  	[tilespmem:s22], [sflag:$0x1] =	stream.indirect_vreg.gather [hbm4b:s3+s2], $0x80, v3, vm0, $0xb8;
	[tilespmem:$0x10100] =	vst v63  }
0xfc: {  	v3 =	vld [tilespmem:$0x40];
	_ =	sdelay $0x4  }
0xfd: {  	v52 =	vshll.u32 v3, $0x1  }
0xfe: {  	v3 =	vand.u32 $0x7, v3;
	v4 =	vand.u32 $0xFFFFFFF0, v52  }
0xff: {  	v3 =	vor.u32 v3, v4  }
0x100: {  	v4 =	vperm.xlane v3, v0;
	_ =	sdelay $0x1  }
0x101: {  	v3 =	vperm.xlane v3, v2;
	v4 =	vadd.s32 v1, v4;
	_ =	sdelay $0x1  }
0x102: {  	v3 =	vadd.s32 v1, v3;
	_ =	sdelay $0x2  }
0x103: {  	[tilespmem:s24], [sflag:$0x1] =	stream.indirect_vreg.gather [hbm4b:s3+s2], $0x80, v4, vm0, $0xb8;
	[tilespmem:$0x10100] =	vst v63  }
0x104: {  	_ = 	snop  }
0x105: {  	[tilespmem:s25], [sflag:$0x1] =	stream.indirect_vreg.gather [hbm4b:s3+s2], $0x80, v3, vm0, $0xb8;
	[tilespmem:$0x10100] =	vst v63  }
0x106: {  	v3 =	vld [tilespmem:$0x50];
	_ =	sdelay $0x4  }
0x107: {  	v53 =	vshll.u32 v3, $0x1  }
0x108: {  	v3 =	vand.u32 $0x7, v3;
	v4 =	vand.u32 $0xFFFFFFF0, v53  }
0x109: {  	v3 =	vor.u32 v3, v4  }
0x10a: {  	v4 =	vperm.xlane v3, v0;
	_ =	sdelay $0x1  }
0x10b: {  	v3 =	vperm.xlane v3, v2;
	v4 =	vadd.s32 v1, v4;
	_ =	sdelay $0x1  }
0x10c: {  	v3 =	vadd.s32 v1, v3;
	_ =	sdelay $0x2  }
0x10d: {  	[tilespmem:s26], [sflag:$0x1] =	stream.indirect_vreg.gather [hbm4b:s3+s2], $0x80, v4, vm0, $0xb8;
	[tilespmem:$0x10100] =	vst v63  }
0x10e: {  	_ = 	snop  }
0x10f: {  	[tilespmem:s28], [sflag:$0x1] =	stream.indirect_vreg.gather [hbm4b:s3+s2], $0x80, v3, vm0, $0xb8;
	[tilespmem:$0x10100] =	vst v63  }
0x110: {  	v3 =	vld [tilespmem:$0x60];
	_ =	sdelay $0x4  }
0x111: {  	v54 =	vshll.u32 v3, $0x1  }
0x112: {  	v3 =	vand.u32 $0x7, v3;
	v4 =	vand.u32 $0xFFFFFFF0, v54  }
0x113: {  	v3 =	vor.u32 v3, v4  }
0x114: {  	v4 =	vperm.xlane v3, v0;
	_ =	sdelay $0x1  }
0x115: {  	v3 =	vperm.xlane v3, v2;
	v4 =	vadd.s32 v1, v4;
	_ =	sdelay $0x1  }
0x116: {  	v3 =	vadd.s32 v1, v3;
	_ =	sdelay $0x2  }
0x117: {  	[tilespmem:s29], [sflag:$0x1] =	stream.indirect_vreg.gather [hbm4b:s3+s2], $0x80, v4, vm0, $0xb8;
	[tilespmem:$0x10100] =	vst v63  }
0x118: {  	_ = 	snop  }
0x119: {  	[tilespmem:s30], [sflag:$0x1] =	stream.indirect_vreg.gather [hbm4b:s3+s2], $0x80, v3, vm0, $0xb8;
	[tilespmem:$0x10100] =	vst v63  }
0x11a: {  	v3 =	vld [tilespmem:$0x70];
	_ =	sdelay $0x4  }
0x11b: {  	v55 =	vshll.u32 v3, $0x1  }
0x11c: {  	v3 =	vand.u32 $0x7, v3;
	v4 =	vand.u32 $0xFFFFFFF0, v55  }
0x11d: {  	v3 =	vor.u32 v3, v4  }
0x11e: {  	v4 =	vperm.xlane v3, v0;
	_ =	sdelay $0x1  }
0x11f: {  	v3 =	vperm.xlane v3, v2;
	v4 =	vadd.s32 v1, v4;
	_ =	sdelay $0x1  }
0x120: {  	v3 =	vadd.s32 v1, v3;
	_ =	sdelay $0x2  }
0x121: {  	[tilespmem:s31], [sflag:$0x1] =	stream.indirect_vreg.gather [hbm4b:s3+s2], $0x80, v4, vm0, $0xb8;
	[tilespmem:$0x10100] =	vst v63  }
0x122: {  	_ = 	snop  }
0x123: {  	[tilespmem:s1], [sflag:$0x1] =	stream.indirect_vreg.gather [hbm4b:s3+s2], $0x80, v3, vm0, $0xb8;
	[tilespmem:$0x10100] =	vst v63  }
0x124: {  	_ =	swait.ge [sflag:s14], $0x8000  }
0x125: {  	[sflag:s14] =	ssyncset.done $0x0  }
0x126: {  	s1 =	rddreg [dreg:$0x7];
	[sflag:s14] =	ssyncadd.s32 $0xFFFF8000  }
0x127: {  	[hbm4b:s1+s2] =	stream.linear.scatter [tilespmem:s0], [sflag:$0x3], $0x8000, $0x38;
	[tilespmem:$0x10100] =	vst v63  }
0x128: {  	_ =	swait.ge [sflag:s5], $0x8000  }
0x129: {  	[sflag:s5] =	ssyncset.done $0x0  }
0x12a: {  	s1 =	rddreg [dreg:$0x8];
	[sflag:s5] =	ssyncadd.s32 $0xFFFF8000  }
0x12b: {  	[tilespmem:s23], [sflag:$0x3] =	stream.linear.gather [hbm4b:s1+s2], $0x80, $0x38;
	[tilespmem:$0x10100] =	vst v63  }
0x12c: {  	_ =	swait.ge [sflag:s5], $0x80  }
0x12d: {  	[sflag:s5] =	ssyncset.done $0x0  }
0x12e: {  	[sflag:s5] =	ssyncadd.s32 $0xFFFFFF80  }
0x12f: {  	v3 =	vld [tilespmem:$0x80];
	_ =	sdelay $0x4  }
0x130: {  	v56 =	vshll.u32 v3, $0x1  }
0x131: {  	v3 =	vand.u32 $0x7, v3;
	v4 =	vand.u32 $0xFFFFFFF0, v56  }
0x132: {  	v3 =	vor.u32 v3, v4  }
0x133: {  	v4 =	vperm.xlane v3, v0;
	_ =	sdelay $0x1  }
0x134: {  	v3 =	vperm.xlane v3, v2;
	v4 =	vadd.s32 v1, v4;
	_ =	sdelay $0x1  }
0x135: {  	v3 =	vadd.s32 v1, v3;
	_ =	sdelay $0x2  }
0x136: {  	[tilespmem:s0], [sflag:$0x2] =	stream.indirect_vreg.gather [hbm4b:s3+s2], $0x80, v4, vm0, $0xb8;
	[tilespmem:$0x10100] =	vst v63  }
0x137: {  	_ = 	snop  }
0x138: {  	[tilespmem:s7], [sflag:$0x2] =	stream.indirect_vreg.gather [hbm4b:s3+s2], $0x80, v3, vm0, $0xb8;
	[tilespmem:$0x10100] =	vst v63  }
0x139: {  	v3 =	vld [tilespmem:$0x90];
	_ =	sdelay $0x4  }
0x13a: {  	v57 =	vshll.u32 v3, $0x1  }
0x13b: {  	v3 =	vand.u32 $0x7, v3;
	v4 =	vand.u32 $0xFFFFFFF0, v57  }
0x13c: {  	v3 =	vor.u32 v3, v4  }
0x13d: {  	v4 =	vperm.xlane v3, v0;
	_ =	sdelay $0x1  }
0x13e: {  	v3 =	vperm.xlane v3, v2;
	v4 =	vadd.s32 v1, v4;
	_ =	sdelay $0x1  }
0x13f: {  	v3 =	vadd.s32 v1, v3;
	_ =	sdelay $0x2  }
0x140: {  	[tilespmem:s8], [sflag:$0x2] =	stream.indirect_vreg.gather [hbm4b:s3+s2], $0x80, v4, vm0, $0xb8;
	[tilespmem:$0x10100] =	vst v63  }
0x141: {  	_ = 	snop  }
0x142: {  	[tilespmem:s9], [sflag:$0x2] =	stream.indirect_vreg.gather [hbm4b:s3+s2], $0x80, v3, vm0, $0xb8;
	[tilespmem:$0x10100] =	vst v63  }
0x143: {  	v3 =	vld [tilespmem:$0xA0];
	_ =	sdelay $0x4  }
0x144: {  	v58 =	vshll.u32 v3, $0x1  }
0x145: {  	v3 =	vand.u32 $0x7, v3;
	v4 =	vand.u32 $0xFFFFFFF0, v58  }
0x146: {  	v3 =	vor.u32 v3, v4  }
0x147: {  	v4 =	vperm.xlane v3, v0;
	_ =	sdelay $0x1  }
0x148: {  	v3 =	vperm.xlane v3, v2;
	v4 =	vadd.s32 v1, v4;
	_ =	sdelay $0x1  }
0x149: {  	v3 =	vadd.s32 v1, v3;
	_ =	sdelay $0x2  }
0x14a: {  	[tilespmem:s10], [sflag:$0x2] =	stream.indirect_vreg.gather [hbm4b:s3+s2], $0x80, v4, vm0, $0xb8;
	[tilespmem:$0x10100] =	vst v63  }
0x14b: {  	_ = 	snop  }
0x14c: {  	[tilespmem:s11], [sflag:$0x2] =	stream.indirect_vreg.gather [hbm4b:s3+s2], $0x80, v3, vm0, $0xb8;
	[tilespmem:$0x10100] =	vst v63  }
0x14d: {  	v3 =	vld [tilespmem:$0xB0];
	_ =	sdelay $0x4  }
0x14e: {  	v59 =	vshll.u32 v3, $0x1  }
0x14f: {  	v3 =	vand.u32 $0x7, v3;
	v4 =	vand.u32 $0xFFFFFFF0, v59  }
0x150: {  	v3 =	vor.u32 v3, v4  }
0x151: {  	v4 =	vperm.xlane v3, v0;
	_ =	sdelay $0x1  }
0x152: {  	v3 =	vperm.xlane v3, v2;
	v4 =	vadd.s32 v1, v4;
	_ =	sdelay $0x1  }
0x153: {  	v3 =	vadd.s32 v1, v3;
	_ =	sdelay $0x2  }
0x154: {  	[tilespmem:s12], [sflag:$0x2] =	stream.indirect_vreg.gather [hbm4b:s3+s2], $0x80, v4, vm0, $0xb8;
	[tilespmem:$0x10100] =	vst v63  }
0x155: {  	s15 =	simm.s32 $0xB900  }
0x156: {  	[tilespmem:s15], [sflag:$0x2] =	stream.indirect_vreg.gather [hbm4b:s3+s2], $0x80, v3, vm0, $0xb8;
	[tilespmem:$0x10100] =	vst v63  }
0x157: {  	v3 =	vld [tilespmem:$0xC0];
	_ =	sdelay $0x4  }
0x158: {  	v60 =	vshll.u32 v3, $0x1  }
0x159: {  	v3 =	vand.u32 $0x7, v3;
	v4 =	vand.u32 $0xFFFFFFF0, v60  }
0x15a: {  	v3 =	vor.u32 v3, v4  }
0x15b: {  	v4 =	vperm.xlane v3, v0;
	_ =	sdelay $0x1  }
0x15c: {  	v3 =	vperm.xlane v3, v2;
	v4 =	vadd.s32 v1, v4;
	_ =	sdelay $0x1  }
0x15d: {  	v3 =	vadd.s32 v1, v3;
	_ =	sdelay $0x1  }
0x15e: {  	s15 =	simm.s32 $0xC100  }
0x15f: {  	[tilespmem:s15], [sflag:$0x2] =	stream.indirect_vreg.gather [hbm4b:s3+s2], $0x80, v4, vm0, $0xb8;
	[tilespmem:$0x10100] =	vst v63  }
0x160: {  	s15 =	simm.s32 $0xC900  }
0x161: {  	[tilespmem:s15], [sflag:$0x2] =	stream.indirect_vreg.gather [hbm4b:s3+s2], $0x80, v3, vm0, $0xb8;
	[tilespmem:$0x10100] =	vst v63  }
0x162: {  	v3 =	vld [tilespmem:$0xD0];
	_ =	sdelay $0x4  }
0x163: {  	v61 =	vshll.u32 v3, $0x1  }
0x164: {  	v3 =	vand.u32 $0x7, v3;
	v4 =	vand.u32 $0xFFFFFFF0, v61  }
0x165: {  	v3 =	vor.u32 v3, v4  }
0x166: {  	v4 =	vperm.xlane v3, v0;
	_ =	sdelay $0x1  }
0x167: {  	v3 =	vperm.xlane v3, v2;
	v4 =	vadd.s32 v1, v4;
	_ =	sdelay $0x1  }
0x168: {  	v3 =	vadd.s32 v1, v3;
	_ =	sdelay $0x1  }
0x169: {  	s15 =	simm.s32 $0xD100  }
0x16a: {  	[tilespmem:s15], [sflag:$0x2] =	stream.indirect_vreg.gather [hbm4b:s3+s2], $0x80, v4, vm0, $0xb8;
	[tilespmem:$0x10100] =	vst v63  }
0x16b: {  	s15 =	simm.s32 $0xD900  }
0x16c: {  	[tilespmem:s15], [sflag:$0x2] =	stream.indirect_vreg.gather [hbm4b:s3+s2], $0x80, v3, vm0, $0xb8;
	[tilespmem:$0x10100] =	vst v63  }
0x16d: {  	v3 =	vld [tilespmem:$0xE0];
	_ =	sdelay $0x4  }
0x16e: {  	v62 =	vshll.u32 v3, $0x1  }
0x16f: {  	v3 =	vand.u32 $0x7, v3;
	v4 =	vand.u32 $0xFFFFFFF0, v62  }
0x170: {  	v3 =	vor.u32 v3, v4  }
0x171: {  	v4 =	vperm.xlane v3, v0;
	_ =	sdelay $0x1  }
0x172: {  	v3 =	vperm.xlane v3, v2;
	v4 =	vadd.s32 v1, v4;
	_ =	sdelay $0x1  }
0x173: {  	v3 =	vadd.s32 v1, v3;
	_ =	sdelay $0x1  }
0x174: {  	s15 =	simm.s32 $0xE100  }
0x175: {  	[tilespmem:s15], [sflag:$0x2] =	stream.indirect_vreg.gather [hbm4b:s3+s2], $0x80, v4, vm0, $0xb8;
	[tilespmem:$0x10100] =	vst v63  }
0x176: {  	s15 =	simm.s32 $0xE900  }
0x177: {  	[tilespmem:s15], [sflag:$0x2] =	stream.indirect_vreg.gather [hbm4b:s3+s2], $0x80, v3, vm0, $0xb8;
	[tilespmem:$0x10100] =	vst v63  }
0x178: {  	v3 =	vld [tilespmem:$0xF0];
	_ =	sdelay $0x4  }
0x179: {  	v63 =	vshll.u32 v3, $0x1  }
0x17a: {  	v3 =	vand.u32 $0x7, v3;
	v4 =	vand.u32 $0xFFFFFFF0, v63  }
0x17b: {  	v3 =	vor.u32 v3, v4  }
0x17c: {  	v4 =	vperm.xlane v3, v0;
	_ =	sdelay $0x1  }
0x17d: {  	v3 =	vperm.xlane v3, v2;
	v4 =	vadd.s32 v1, v4;
	_ =	sdelay $0x1  }
0x17e: {  	v3 =	vadd.s32 v1, v3;
	_ =	sdelay $0x1  }
0x17f: {  	s15 =	simm.s32 $0xF100  }
0x180: {  	[tilespmem:s15], [sflag:$0x2] =	stream.indirect_vreg.gather [hbm4b:s3+s2], $0x80, v4, vm0, $0xb8;
	[tilespmem:$0x10100] =	vst v63  }
0x181: {  	s15 =	simm.s32 $0xF900  }
0x182: {  	[tilespmem:s15], [sflag:$0x2] =	stream.indirect_vreg.gather [hbm4b:s3+s2], $0x80, v3, vm0, $0xb8;
	[tilespmem:$0x10100] =	vst v63  }
0x183: {  	_ =	swait.ge [sflag:s6], $0x8000  }
0x184: {  	[sflag:s6] =	ssyncset.done $0x0  }
0x185: {  	s13 =	simm.s32 $0x100;
	s1 =	rddreg [dreg:$0x9];
	[sflag:s6] =	ssyncadd.s32 $0xFFFF8000  }
0x186: {  	[hbm4b:s1+s2] =	stream.linear.scatter [tilespmem:s13], [sflag:$0x3], $0x8000, $0x38;
	[tilespmem:$0x10100] =	vst v63  }
0x187: {  	_ =	swait.ge [sflag:s5], $0x8000  }
0x188: {  	[sflag:s5] =	ssyncset.done $0x0  }
0x189: {  	[sflag:s5] =	ssyncadd.s32 $0xFFFF8000  }
0x18a: {  	_ =	swait.ge [sflag:s14], $0x8000  }
0x18b: {  	p0 =	sne.s32 s4, $0x1;
	[sflag:s14] =	ssyncset.done $0x0  }
.Ltmp0:
0x18c: {  	s13 =	rddreg [dreg:$0xa];
	[sflag:s14] =	ssyncadd.s32 $0xFFFF8000;
	(pc) =	sbr.rel @p0 .LBB2_1-.Ltmp0, $4  }
0x18d: {  	[hbm4b:s13+s2] =	stream.linear.scatter [tilespmem:s0], [sflag:$0x3], $0x8000, $0x38;
	[tilespmem:$0x10100] =	vst v63  }
0x18e: {  	_ =	swait.ge [sflag:s5], $0x8000  }
0x18f: {  	[sflag:s5] =	ssyncset.done $0x0  }
0x190: {  	s4 =	sadd.s32 $0xFFFFFFFF, s4;
	[sflag:s5] =	ssyncadd.s32 $0xFFFF8000  }
0x191: {  	_ =	sfence.sel $0x180000  }
0x192: {  	[bflag:$0x0] =	sbarrier.arrive $0xFFFF  }
0x193: {  	_ =	strace $0x90000047  }
0x194: {  	s0 =	stileid.u32;
	[bflag:$0x2] =	sbarrier.arrive $0xFFFF  }
0x195: {  	p0 =	sne.s32 s0, $0x0;
	s0 =	rddreg [dreg:$0x2]  }
0x196: {  	s0 =	sadd.s32 @!p0 $0x100000, s0  }
0x197: {  	[sflag:s0] =	ssyncadd.tile.s32 @!p0 $0x1;
	_ =	shalt  }
.Lfunc_end2:
_tile_overlayer_lowered:
.L_overlay_start_2:
0x198: {  	(tag) =	ssettag $0x2  }
0x199: {  	s0 =	rddreg [dreg:$0x0];
	s2 =	stileid.u32  }
0x19a: {  	s1 =	rddreg [dreg:$0x1];
	p0 =	sne.s32 s2, $0x0  }
0x19b: {  	s3 =	rddreg [dreg:$0x2];
	[bflag:$0x3] =	sbarrier.arrive $0xFFFF;
	s2 =	simm.s32 @!p0 $0x1C03  }
0x19c: {  	[timem:s3], [sflag:s2] =	dma.local @!p0 [hbm:s0], s1  }
0x19d: {  	s0 =	simm.s32 @!p0 $0x3  }
0x19e: {  	_ =	swait.ge @!p0 [sflag:s0], s1  }
0x19f: {  	s1 =	ssub.s32 @!p0 $0x0, s1;
	[sflag:s0] =	ssyncset.done @!p0 $0x0  }
0x1a0: {  	[sflag:s0] =	ssyncadd.s32 @!p0 s1  }
0x1a1: {  	[bflag:$0x3] =	sbarrier.arrive $0xFFFF  }
0x1a2: {  	_ =	shalt  }

</sc_bundles>
